<compile_context>
chip_gen: v7x
topology: tpu7x:2x2x1
jax: 0.10.2.dev20260603
libtpu: 0.0.44.dev20260713+nightly
codegen_flags: <defaults>
</compile_context>

<pallas_src>
import jax
import jax.numpy as jnp
from jax import lax
from jax.experimental import pallas as pl
from jax.experimental.pallas import tpu as pltpu
import jax.experimental.pallas.tpu_sc as plsc

NA = 10000
NM = 2000
NI = 320000
H = 64
NG = 64
NAP = 10240
NMP = 2048
NW = 32
CH = 128
KW = 80
NIP = NW * KW * CH
PR = 5008
TRH = 5000
PRF = 39

_f32 = jnp.float32
_i32 = jnp.int32


def _tc_a_body(az_ref, emb_ref, wf0_ref, bf_ref, wc0_ref, bc_ref,
               xa_ref, af_ref):
    az = az_ref[...]
    io = lax.broadcasted_iota(_i32, (NAP, 128), 1)
    oh = (az == io).astype(_f32)
    x = lax.dot_general(oh, emb_ref[...], (((1,), (0,)), ((), ())),
                        preferred_element_type=_f32)
    onec = (lax.broadcasted_iota(_i32, (NAP, 64), 1) == 0).astype(_f32)
    xa_ref[...] = jnp.concatenate([x, onec], axis=1)
    af = lax.dot_general(x, wf0_ref[...], (((1,), (0,)), ((), ())),
                         preferred_element_type=_f32) + bf_ref[...]
    ac = lax.dot_general(x, wc0_ref[...], (((1,), (0,)), ((), ())),
                         preferred_element_type=_f32) + bc_ref[...]
    af_ref[...] = jnp.concatenate([af, ac], axis=1)


def _tc_a(az2, emb_p, wf0, bf2, wc0, bc2):
    return pl.pallas_call(
        _tc_a_body,
        out_shape=(jax.ShapeDtypeStruct((NAP, 128), _f32),
                   jax.ShapeDtypeStruct((NAP, 128), _f32)),
    )(az2, emb_p, wf0, bf2, wc0, bc2)


def _zero_packed(zb_v, dst_sp, sid):
    for k in range(3):
        s = sid * 3 + k
        @pl.when(s < PRF)
        def _():
            pltpu.sync_copy(zb_v, dst_sp.at[pl.ds(s * CH, CH)])
    @pl.when(sid == 0)
    def _():
        pltpu.sync_copy(zb_v.at[pl.ds(0, 16)],
                        dst_sp.at[pl.ds(PRF * CH, 16)])


def _write_packed(src_sp, wb_v, out_hbm, cid, sid):
    for k in range(3):
        s = sid * 3 + k
        @pl.when(s < PRF)
        def _():
            pltpu.sync_copy(src_sp.at[pl.ds(s * CH, CH)], wb_v)
            pltpu.sync_copy(wb_v, out_hbm.at[cid, pl.ds(s * CH, CH)])
    @pl.when(sid == 0)
    def _():
        pltpu.sync_copy(src_sp.at[pl.ds(PRF * CH, 16)], wb_v.at[pl.ds(0, 16)])
        pltpu.sync_copy(wb_v.at[pl.ds(0, 16)],
                        out_hbm.at[cid, pl.ds(PRF * CH, 16)])


def _parity_indices(aidx_v, ilo_v, ihi_v):
    def tform(k, carry):
        for u in range(8):
            sl = pl.ds(16 * u, 16)
            a = aidx_v[k, sl]
            par = a & 1
            half = lax.shift_right_logical(a, 1)
            ilo_v[k, sl] = jnp.where(par == 0, half, TRH)
            ihi_v[k, sl] = jnp.where(par == 1, half, TRH)
        return carry
    lax.fori_loop(0, KW, tform, 0)


def _sc_a_body(aidx_hbm, midx_hbm, xa_hbm, out_hbm,
               aidx_v, midx_v, rows_v, zb_v, acc_sp, sem):
    cid = lax.axis_index("c")
    sid = lax.axis_index("s")
    wid = sid * 2 + cid

    zseg = jnp.zeros((16,), _f32)

    def zrow(r, carry):
        for j in range(8):
            zb_v[r, 16 * j:16 * (j + 1)] = zseg
        return carry
    lax.fori_loop(0, CH, zrow, 0)
    pltpu.sync_copy(zb_v, acc_sp.at[pl.ds(sid * CH, CH)])
    plsc.subcore_barrier()

    pltpu.sync_copy(aidx_hbm.at[pl.ds(wid * KW, KW)], aidx_v)
    pltpu.sync_copy(midx_hbm.at[pl.ds(wid * KW, KW)], midx_v)

    def chunk(c, carry):
        pltpu.async_copy(xa_hbm.at[aidx_v.at[c]], rows_v, sem).wait()
        pltpu.sync_copy(rows_v, acc_sp.at[midx_v.at[c]], add=True)
        return carry
    lax.fori_loop(0, KW, chunk, 0)

    plsc.subcore_barrier()
    pltpu.sync_copy(acc_sp.at[pl.ds(sid * CH, CH)], rows_v)
    pltpu.sync_copy(rows_v, out_hbm.at[cid, pl.ds(sid * CH, CH)])


def _sc_a(aidx2, midx2, xa):
    mesh = plsc.VectorSubcoreMesh(core_axis_name="c", subcore_axis_name="s")
    return pl.kernel(
        _sc_a_body,
        out_type=jax.ShapeDtypeStruct((2, NMP, 128), _f32),
        mesh=mesh,
        scratch_types=[
            pltpu.VMEM((KW, CH), _i32),
            pltpu.VMEM((KW, CH), _i32),
            pltpu.VMEM((CH, 128), _f32),
            pltpu.VMEM((CH, 128), _f32),
            pltpu.VMEM_SHARED((NMP, 128), _f32),
            pltpu.SemaphoreType.DMA,
        ],
    )(aidx2, midx2, xa)


def _tc_b_body(acc_ref, map_ref, w1fa_ref, w1fb_ref, w1ca_ref, w1cb_ref,
               mf_ref):
    acc = acc_ref[0] + acc_ref[1]
    sums = acc[:, :64]
    cnt = jnp.sum(acc[:, 64:128], axis=1, keepdims=True)
    hx = sums / jnp.maximum(cnt, 1.0)
    mp = map_ref[...]
    mf = (lax.dot_general(hx, w1fa_ref[...], (((1,), (0,)), ((), ())),
                          preferred_element_type=_f32)
          + lax.dot_general(mp, w1fb_ref[...], (((1,), (0,)), ((), ())),
                            preferred_element_type=_f32))
    mc = (lax.dot_general(hx, w1ca_ref[...], (((1,), (0,)), ((), ())),
                          preferred_element_type=_f32)
          + lax.dot_general(mp, w1cb_ref[...], (((1,), (0,)), ((), ())),
                            preferred_element_type=_f32))
    mf_ref[...] = jnp.concatenate([mf, mc], axis=1)


def _tc_b(accA, map_p, w1fa, w1fb, w1ca, w1cb):
    return pl.pallas_call(
        _tc_b_body,
        out_shape=jax.ShapeDtypeStruct((NMP, 128), _f32),
    )(accA, map_p, w1fa, w1fb, w1ca, w1cb)


KHB = 80


def _sc_b_body(aidx_hbm, midx_hbm, af_hbm, mf_hbm, out_hbm,
               aidx_v, midx_v, ilo_v, ihi_v, arow_v, mrow_v, mlo_v, mhi_v,
               acc_sp, sem_a, sem_m):
    cid = lax.axis_index("c")
    sid = lax.axis_index("s")
    wid = sid * 2 + cid

    zseg = jnp.zeros((16,), _f32)

    def zrow(r, carry):
        for j in range(8):
            sl = pl.ds(16 * j, 16)
            mlo_v[r, sl] = zseg
            mhi_v[r, sl] = zseg
        return carry
    lax.fori_loop(0, CH, zrow, 0)
    _zero_packed(mlo_v, acc_sp, sid)
    plsc.subcore_barrier()

    for hb in range(1):
        base = wid * KHB
        pltpu.sync_copy(aidx_hbm.at[pl.ds(base, KHB)], aidx_v)
        pltpu.sync_copy(midx_hbm.at[pl.ds(base, KHB)], midx_v)
        _parity_indices(aidx_v, ilo_v, ihi_v)

        def chunk(c, carry):
            cp_a = pltpu.async_copy(af_hbm.at[aidx_v.at[c]], arow_v, sem_a)
            cp_m = pltpu.async_copy(mf_hbm.at[midx_v.at[c]], mrow_v, sem_m)
            cp_a.wait()
            cp_m.wait()

            def row(r, rc):
                for j in range(4):
                    lo = 16 * j
                    hi = 64 + 16 * j
                    zf = arow_v[r, lo:lo + 16] + mrow_v[r, lo:lo + 16]
                    zc = arow_v[r, hi:hi + 16] + mrow_v[r, hi:hi + 16]
                    sg = 1.0 / (1.0 + jnp.exp(-zf))
                    t = jnp.exp(-jnp.abs(zc))
                    sv = t / (t + 2.0)
                    q = sv * sv
                    p = ((0.2857142857 * q + 0.4) * q
                         + 0.6666666667) * q + 2.0
                    msg = sg * (jnp.maximum(zc, 0.0) + sv * p)
                    mlo_v[r, lo:lo + 16] = msg
                    mhi_v[r, hi:hi + 16] = msg
                return rc
            lax.fori_loop(0, CH, row, 0)
            pltpu.sync_copy(mlo_v, acc_sp.at[ilo_v.at[c]], add=True)
            pltpu.sync_copy(mhi_v, acc_sp.at[ihi_v.at[c]], add=True)
            return carry
        lax.fori_loop(0, KHB, chunk, 0)

    plsc.subcore_barrier()
    _write_packed(acc_sp, mhi_v, out_hbm, cid, sid)


def _sc_b(aidx2, midx2, af, mf):
    mesh = plsc.VectorSubcoreMesh(core_axis_name="c", subcore_axis_name="s")
    return pl.kernel(
        _sc_b_body,
        out_type=jax.ShapeDtypeStruct((2, PR, 128), _f32),
        mesh=mesh,
        scratch_types=[
            pltpu.VMEM((KHB, CH), _i32),
            pltpu.VMEM((KHB, CH), _i32),
            pltpu.VMEM((KHB, CH), _i32),
            pltpu.VMEM((KHB, CH), _i32),
            pltpu.VMEM((CH, 128), _f32),
            pltpu.VMEM((CH, 128), _f32),
            pltpu.VMEM((CH, 128), _f32),
            pltpu.VMEM((CH, 128), _f32),
            pltpu.VMEM_SHARED((PR, 128), _f32),
            pltpu.SemaphoreType.DMA,
            pltpu.SemaphoreType.DMA,
        ],
    )(aidx2, midx2, af, mf)


def _tc_c_body(acc_ref, cnt_ref, xa_ref, b2_ref, wl1_ref, bl1_ref, wo_ref,
               bo_ref, out_ref):
    acc = acc_ref[0] + acc_ref[1]
    sums = acc[:NA, :]
    cnt = cnt_ref[...]
    on_ = sums / jnp.maximum(cnt, 1.0)
    xv = xa_ref[...][:NA, :64]
    xnew = jnp.maximum(on_ + xv, 0.0)
    ohb = (b2_ref[...] == lax.broadcasted_iota(_i32, (NA, NG), 1)).astype(_f32)
    psum = lax.dot_general(ohb, xnew, (((0,), (0,)), ((), ())),
                           preferred_element_type=_f32)
    pcnt = lax.dot_general(ohb, jnp.ones((NA, 1), _f32),
                           (((0,), (0,)), ((), ())),
                           preferred_element_type=_f32)
    pooled = psum / jnp.maximum(pcnt, 1.0)
    h = lax.dot_general(pooled, wl1_ref[...], (((1,), (0,)), ((), ())),
                        preferred_element_type=_f32) + bl1_ref[...]
    hsp = jnp.maximum(h, 0.0) + jnp.log1p(jnp.exp(-jnp.abs(h)))
    out_ref[...] = lax.dot_general(hsp, wo_ref[...], (((1,), (0,)), ((), ())),
                                   preferred_element_type=_f32) + bo_ref[...]


def _tc_c(accB, cntB, xa, b2, wl1, bl12, wo, bo2):
    return pl.pallas_call(
        _tc_c_body,
        out_shape=jax.ShapeDtypeStruct((NG, 1), _f32),
    )(accB, cntB, xa, b2, wl1, bl12, wo, bo2)


@jax.jit
def kernel(atom_z, motif_attr, hyperedge_index, batch, embed,
           W_f, b_f, W_c, b_c, W_l1, b_l1, W_out, b_out):
    aidx = hyperedge_index[0].astype(_i32)
    midx = hyperedge_index[1].astype(_i32)
    aidx2 = jnp.concatenate(
        [aidx, jnp.full((NIP - NI,), NA, _i32)]).reshape(NW * KW, CH)
    midx2 = jnp.concatenate(
        [midx, jnp.full((NIP - NI,), NM, _i32)]).reshape(NW * KW, CH)

    az2 = jnp.concatenate(
        [atom_z.astype(_i32), jnp.full((NAP - NA,), 101, _i32)]).reshape(NAP, 1)
    emb_p = jnp.pad(embed.astype(_f32), ((0, 128 - 101), (0, 0)))
    bf2 = b_f.reshape(1, H).astype(_f32)
    bc2 = b_c.reshape(1, H).astype(_f32)

    xa, af = _tc_a(az2, emb_p, W_f[:H], bf2, W_c[:H], bc2)

    accA = _sc_a(aidx2, midx2, xa)
    cnt_a = jax.ops.segment_sum(jnp.ones((NI, 1), _f32), aidx,
                                num_segments=NA)

    map_p = jnp.pad(motif_attr.astype(_f32), ((0, NMP - NM), (0, 2)))
    w1fb = jnp.pad(W_f[2 * H:], ((0, 2), (0, 0)))
    w1cb = jnp.pad(W_c[2 * H:], ((0, 2), (0, 0)))
    mf = _tc_b(accA, map_p, W_f[H:2 * H], w1fb, W_c[H:2 * H], w1cb)

    ar = af[aidx2.reshape(-1)]
    mr = mf[midx2.reshape(-1)]
    zf = ar[:, :64] + mr[:, :64]
    zc = ar[:, 64:] + mr[:, 64:]
    sg = 1.0 / (1.0 + jnp.exp(-zf))
    t = jnp.exp(-jnp.abs(zc))
    sv = t / (t + 2.0)
    q = sv * sv
    p = ((0.2857142857 * q + 0.4) * q + 0.6666666667) * q + 2.0
    msg = sg * (jnp.maximum(zc, 0.0) + sv * p)
    accB_full = jax.ops.segment_sum(msg, aidx2.reshape(-1),
                                    num_segments=2 * PR)
    accP = jnp.stack([accB_full, jnp.zeros_like(accB_full)])

    accB = accP

    b2 = batch.astype(_i32).reshape(NA, 1)
    return _tc_c(accB, cnt_a, xa, b2, W_l1.astype(_f32), b_l1.reshape(1, -1),
                 W_out.astype(_f32), b_out.reshape(1, 1))

# --- scband reference (transcript-rebuilt; emitter-appended) ---
"""Pipeline reference for scband-crystal-hypergraph-conv-18064632447537 (READ-ONLY COPY).

The authoritative reference and input builder live on the scoring server;
editing this copy changes nothing except your own understanding.
"""

import jax, jax.numpy as jnp
import numpy as np

N_ATOMS = 10000
N_MOTIFS = 2000
N_INC = 320000
H_DIM = 64
HOUT = 128
MOTIF_DIM = 94
N_GRAPHS = 64
ZDIM = 2 * H_DIM + MOTIF_DIM


def setup_inputs(seed: int = 0) -> dict:
    key = jax.random.key(seed)
    ks = jax.random.split(key, 12)
    atom_z = jax.random.randint(ks[0], (N_ATOMS,), 0, 101)
    motif_attr = jax.random.normal(ks[1], (N_MOTIFS, MOTIF_DIM), dtype=jnp.float32)
    atom_idx = jax.random.randint(ks[2], (N_INC,), 0, N_ATOMS)
    motif_idx = jax.random.randint(ks[3], (N_INC,), 0, N_MOTIFS)
    hyperedge_index = jnp.stack([atom_idx, motif_idx], axis=0)
    batch = jnp.sort(jax.random.randint(ks[4], (N_ATOMS,), 0, N_GRAPHS))
    embed = jax.random.normal(ks[5], (101, H_DIM), dtype=jnp.float32) * 0.1
    W_f = jax.random.normal(ks[6], (ZDIM, H_DIM), dtype=jnp.float32) * 0.05
    b_f = jnp.zeros((H_DIM,), dtype=jnp.float32)
    W_c = jax.random.normal(ks[7], (ZDIM, H_DIM), dtype=jnp.float32) * 0.05
    b_c = jnp.zeros((H_DIM,), dtype=jnp.float32)
    W_l1 = jax.random.normal(ks[8], (H_DIM, HOUT), dtype=jnp.float32) * 0.05
    b_l1 = jnp.zeros((HOUT,), dtype=jnp.float32)
    W_out = jax.random.normal(ks[9], (HOUT, 1), dtype=jnp.float32) * 0.05
    b_out = jnp.zeros((1,), dtype=jnp.float32)
    return {"atom_z": atom_z, "motif_attr": motif_attr, "hyperedge_index": hyperedge_index,
            "batch": batch, "embed": embed, "W_f": W_f, "b_f": b_f, "W_c": W_c, "b_c": b_c,
            "W_l1": W_l1, "b_l1": b_l1, "W_out": W_out, "b_out": b_out}


def _segment_mean(data, seg_ids, num_segments):
    sums = jax.ops.segment_sum(data, seg_ids, num_segments=num_segments)
    cnt = jax.ops.segment_sum(jnp.ones((data.shape[0], 1), dtype=data.dtype), seg_ids, num_segments=num_segments)
    return sums / jnp.maximum(cnt, 1.0)


def reference(atom_z, motif_attr, hyperedge_index, batch, embed, W_f, b_f, W_c, b_c, W_l1, b_l1, W_out, b_out):
    atom_idx = hyperedge_index[0]
    motif_idx = hyperedge_index[1]
    # atom embedding lookup (Embedding(101, h_dim))
    x = jnp.take(embed, atom_z, axis=0)
    # ---- CHGConv (motif 'contains' atom) ----
    # gather atom features along incidences, mean-reduce onto motif hyperedges
    x_i = jnp.take(x, atom_idx, axis=0)
    hedge_xs = _segment_mean(x_i, motif_idx, N_MOTIFS)
    # hyperedge message = [aggregated atom feats || raw motif hyperedge attrs]
    message_holder = jnp.concatenate([hedge_xs, motif_attr], axis=1)
    x_j = jnp.take(message_holder, motif_idx, axis=0)
    z = jnp.concatenate([x_i, x_j], axis=1)
    z_f = z @ W_f + b_f
    z_c = z @ W_c + b_c
    msg = jax.nn.sigmoid(z_f) * jax.nn.softplus(z_c)
    # mean-reduce messages back onto atoms, residual connection
    out_nodes = _segment_mean(msg, atom_idx, N_ATOMS)
    x = jax.nn.relu(out_nodes + x)
    # ---- per-crystal mean pooling (scatter reduce='mean' over batch) ----
    pooled = _segment_mean(x, batch, N_GRAPHS)
    h = jax.nn.softplus(pooled @ W_l1 + b_l1)
    output = h @ W_out + b_out
    return output

if __name__ == "__main__":
    import jax
    _d = setup_inputs()
    print(jax.jit(kernel)(*tuple(_d.values())))

</pallas_src>

<mosaic_0001>
#map = affine_map<(d0, d1) -> (0, 0)>
#map1 = affine_map<(d0, d1) -> (0, 0, 0)>
module attributes {stable_mosaic.version = 14 : i64} {
  func.func @_sc_a_body(%arg0: i32, %arg1: i32, %arg2: memref<2560x128xi32, #tpu.memory_space<hbm>>, %arg3: memref<2560x128xi32, #tpu.memory_space<hbm>>, %arg4: memref<10240x128xf32, #tpu.memory_space<hbm>>, %arg5: memref<2x2048x128xf32, #tpu.memory_space<hbm>>, %arg6: memref<80x128xi32, #tpu.memory_space<vmem>>, %arg7: memref<80x128xi32, #tpu.memory_space<vmem>>, %arg8: memref<128x128xf32, #tpu.memory_space<vmem>>, %arg9: memref<128x128xf32, #tpu.memory_space<vmem>>, %arg10: memref<2048x128xf32, #tpu.memory_space<vmem_shared>>, %arg11: memref<!tpu.dma_semaphore, #tpu.memory_space<semaphore_mem>>) attributes {dimension_semantics = [#tpu.dimension_semantics<core_parallel>, #tpu.dimension_semantics<subcore_parallel>], iteration_bounds = array<i64: 2, 16>, scalar_prefetch = 0 : i64, scratch_operands = 6 : i64, tpu.core_type = #tpu.core_type<sc_vector_subcore>, window_params = [{transform_indices = #map}, {transform_indices = #map}, {transform_indices = #map}, {transform_indices = #map1}]} {
    %mul3A = arith.constant 2 : i32
    %mul3A_0 = arith.muli %arg1, %mul3A : i32
    %add3A = arith.addi %mul3A_0, %arg0 : i32
    %broadcast_in_dim3A = arith.constant 0.000000e+00 : f32
    %broadcast_in_dim3A_1 = vector.broadcast %broadcast_in_dim3A : f32 to vector<16xf32>
    %scan3A = arith.constant 0 : i32
    %scan3A_2 = arith.constant 0 : i32
    %scan3A_3 = arith.constant 128 : i32
    %scan3A_4 = arith.addi %scan3A_2, %scan3A_3 : i32
    %scan3A_5 = arith.constant 1 : i32
    scf.for %scan3A_24 = %scan3A_2 to %scan3A_4 step %scan3A_5  : i32 {
      %swap3A = arith.index_cast %scan3A_24 : i32 to index
      %swap3A_25 = arith.constant 0 : index
      %swap3A_26 = tpu.vector_load %arg9[%swap3A, %swap3A_25] {strides = array<i32>} : memref<128x128xf32, #tpu.memory_space<vmem>>, vector<1x16xf32>,
      %swap3A_27 = vector.shape_cast %swap3A_26 : vector<1x16xf32> to vector<16xf32>
      %swap3A_28 = vector.shape_cast %broadcast_in_dim3A_1 : vector<16xf32> to vector<1x16xf32>
      tpu.vector_store %arg9[%swap3A, %swap3A_25], %swap3A_28 {strides = array<i32>} : memref<128x128xf32, #tpu.memory_space<vmem>>, vector<1x16xf32>,
      %swap3A_29 = arith.index_cast %scan3A_24 : i32 to index
      %swap3A_30 = arith.constant 16 : index
      %swap3A_31 = tpu.vector_load %arg9[%swap3A_29, %swap3A_30] {strides = array<i32>} : memref<128x128xf32, #tpu.memory_space<vmem>>, vector<1x16xf32>,
      %swap3A_32 = vector.shape_cast %swap3A_31 : vector<1x16xf32> to vector<16xf32>
      %swap3A_33 = vector.shape_cast %broadcast_in_dim3A_1 : vector<16xf32> to vector<1x16xf32>
      tpu.vector_store %arg9[%swap3A_29, %swap3A_30], %swap3A_33 {strides = array<i32>} : memref<128x128xf32, #tpu.memory_space<vmem>>, vector<1x16xf32>,
      %swap3A_34 = arith.index_cast %scan3A_24 : i32 to index
      %swap3A_35 = arith.constant 32 : index
      %swap3A_36 = tpu.vector_load %arg9[%swap3A_34, %swap3A_35] {strides = array<i32>} : memref<128x128xf32, #tpu.memory_space<vmem>>, vector<1x16xf32>,
      %swap3A_37 = vector.shape_cast %swap3A_36 : vector<1x16xf32> to vector<16xf32>
      %swap3A_38 = vector.shape_cast %broadcast_in_dim3A_1 : vector<16xf32> to vector<1x16xf32>
      tpu.vector_store %arg9[%swap3A_34, %swap3A_35], %swap3A_38 {strides = array<i32>} : memref<128x128xf32, #tpu.memory_space<vmem>>, vector<1x16xf32>,
      %swap3A_39 = arith.index_cast %scan3A_24 : i32 to index
      %swap3A_40 = arith.constant 48 : index
      %swap3A_41 = tpu.vector_load %arg9[%swap3A_39, %swap3A_40] {strides = array<i32>} : memref<128x128xf32, #tpu.memory_space<vmem>>, vector<1x16xf32>,
      %swap3A_42 = vector.shape_cast %swap3A_41 : vector<1x16xf32> to vector<16xf32>
      %swap3A_43 = vector.shape_cast %broadcast_in_dim3A_1 : vector<16xf32> to vector<1x16xf32>
      tpu.vector_store %arg9[%swap3A_39, %swap3A_40], %swap3A_43 {strides = array<i32>} : memref<128x128xf32, #tpu.memory_space<vmem>>, vector<1x16xf32>,
      %swap3A_44 = arith.index_cast %scan3A_24 : i32 to index
      %swap3A_45 = arith.constant 64 : index
      %swap3A_46 = tpu.vector_load %arg9[%swap3A_44, %swap3A_45] {strides = array<i32>} : memref<128x128xf32, #tpu.memory_space<vmem>>, vector<1x16xf32>,
      %swap3A_47 = vector.shape_cast %swap3A_46 : vector<1x16xf32> to vector<16xf32>
      %swap3A_48 = vector.shape_cast %broadcast_in_dim3A_1 : vector<16xf32> to vector<1x16xf32>
      tpu.vector_store %arg9[%swap3A_44, %swap3A_45], %swap3A_48 {strides = array<i32>} : memref<128x128xf32, #tpu.memory_space<vmem>>, vector<1x16xf32>,
      %swap3A_49 = arith.index_cast %scan3A_24 : i32 to index
      %swap3A_50 = arith.constant 80 : index
      %swap3A_51 = tpu.vector_load %arg9[%swap3A_49, %swap3A_50] {strides = array<i32>} : memref<128x128xf32, #tpu.memory_space<vmem>>, vector<1x16xf32>,
      %swap3A_52 = vector.shape_cast %swap3A_51 : vector<1x16xf32> to vector<16xf32>
      %swap3A_53 = vector.shape_cast %broadcast_in_dim3A_1 : vector<16xf32> to vector<1x16xf32>
      tpu.vector_store %arg9[%swap3A_49, %swap3A_50], %swap3A_53 {strides = array<i32>} : memref<128x128xf32, #tpu.memory_space<vmem>>, vector<1x16xf32>,
      %swap3A_54 = arith.index_cast %scan3A_24 : i32 to index
      %swap3A_55 = arith.constant 96 : index
      %swap3A_56 = tpu.vector_load %arg9[%swap3A_54, %swap3A_55] {strides = array<i32>} : memref<128x128xf32, #tpu.memory_space<vmem>>, vector<1x16xf32>,
      %swap3A_57 = vector.shape_cast %swap3A_56 : vector<1x16xf32> to vector<16xf32>
      %swap3A_58 = vector.shape_cast %broadcast_in_dim3A_1 : vector<16xf32> to vector<1x16xf32>
      tpu.vector_store %arg9[%swap3A_54, %swap3A_55], %swap3A_58 {strides = array<i32>} : memref<128x128xf32, #tpu.memory_space<vmem>>, vector<1x16xf32>,
      %swap3A_59 = arith.index_cast %scan3A_24 : i32 to index
      %swap3A_60 = arith.constant 112 : index
      %swap3A_61 = tpu.vector_load %arg9[%swap3A_59, %swap3A_60] {strides = array<i32>} : memref<128x128xf32, #tpu.memory_space<vmem>>, vector<1x16xf32>,
      %swap3A_62 = vector.shape_cast %swap3A_61 : vector<1x16xf32> to vector<16xf32>
      %swap3A_63 = vector.shape_cast %broadcast_in_dim3A_1 : vector<16xf32> to vector<1x16xf32>
      tpu.vector_store %arg9[%swap3A_59, %swap3A_60], %swap3A_63 {strides = array<i32>} : memref<128x128xf32, #tpu.memory_space<vmem>>, vector<1x16xf32>,
    }
    %scan3A_6 = arith.constant 128 : i32
    %mul3A_7 = arith.constant 128 : i32
    %mul3A_8 = arith.muli %arg1, %mul3A_7 : i32
    "tpu.region"() ({
      %run_scoped3A = tpu.sem_alloc : memref<!tpu.dma_semaphore, #tpu.memory_space<semaphore_mem>>
      %dma_start3A = arith.constant 0 : i32
      %dma_start3A_24 = tpu.memref_slice %arg10[%mul3A_8, %dma_start3A] : memref<2048x128xf32, #tpu.memory_space<vmem_shared>> -> memref<128x128xf32, #tpu.memory_space<vmem_shared>>
      %dma_start3A_25 = arith.constant 0 : i32
      %dma_start3A_26 = tpu.memref_slice %arg10[%mul3A_8, %dma_start3A_25] : memref<2048x128xf32, #tpu.memory_space<vmem_shared>> -> memref<128x128xf32, #tpu.memory_space<vmem_shared>>
      tpu.enqueue_dma source(%arg9 : memref<128x128xf32, #tpu.memory_space<vmem>>) target(%dma_start3A_26 : memref<128x128xf32, #tpu.memory_space<vmem_shared>>) target_semaphore(%run_scoped3A : memref<!tpu.dma_semaphore, #tpu.memory_space<semaphore_mem>>)
      %dma_wait3A = arith.constant 0 : i32
      %dma_wait3A_27 = tpu.memref_slice %arg10[%mul3A_8, %dma_wait3A] : memref<2048x128xf32, #tpu.memory_space<vmem_shared>> -> memref<128x128xf32, #tpu.memory_space<vmem_shared>>
      %dma_wait3A_28 = arith.constant 0 : i32
      %dma_wait3A_29 = tpu.memref_slice %arg10[%mul3A_8, %dma_wait3A_28] : memref<2048x128xf32, #tpu.memory_space<vmem_shared>> -> memref<128x128xf32, #tpu.memory_space<vmem_shared>>
      tpu.wait_dma2 semaphore(%run_scoped3A : memref<!tpu.dma_semaphore, #tpu.memory_space<semaphore_mem>>) src(%arg9 : memref<128x128xf32, #tpu.memory_space<vmem>>) dst(%dma_wait3A_29 : memref<128x128xf32, #tpu.memory_space<vmem_shared>>)
      tpu.yield
    }) : () -> ()
    %barrier3A = arith.constant 0 : index
    tpu.barrier barrier_id(%barrier3A)
    %mul3A_9 = arith.constant 80 : i32
    %mul3A_10 = arith.muli %add3A, %mul3A_9 : i32
    "tpu.region"() ({
      %run_scoped3A = tpu.sem_alloc : memref<!tpu.dma_semaphore, #tpu.memory_space<semaphore_mem>>
      %dma_start3A = arith.constant 0 : i32
      %dma_start3A_24 = tpu.memref_slice %arg2[%mul3A_10, %dma_start3A] : memref<2560x128xi32, #tpu.memory_space<hbm>> -> memref<80x128xi32, #tpu.memory_space<hbm>>
      %dma_start3A_25 = arith.constant 0 : i32
      %dma_start3A_26 = tpu.memref_slice %arg2[%mul3A_10, %dma_start3A_25] : memref<2560x128xi32, #tpu.memory_space<hbm>> -> memref<80x128xi32, #tpu.memory_space<hbm>>
      tpu.enqueue_dma source(%dma_start3A_26 : memref<80x128xi32, #tpu.memory_space<hbm>>) target(%arg6 : memref<80x128xi32, #tpu.memory_space<vmem>>) target_semaphore(%run_scoped3A : memref<!tpu.dma_semaphore, #tpu.memory_space<semaphore_mem>>)
      %dma_wait3A = arith.constant 0 : i32
      %dma_wait3A_27 = tpu.memref_slice %arg2[%mul3A_10, %dma_wait3A] : memref<2560x128xi32, #tpu.memory_space<hbm>> -> memref<80x128xi32, #tpu.memory_space<hbm>>
      %dma_wait3A_28 = arith.constant 0 : i32
      %dma_wait3A_29 = tpu.memref_slice %arg2[%mul3A_10, %dma_wait3A_28] : memref<2560x128xi32, #tpu.memory_space<hbm>> -> memref<80x128xi32, #tpu.memory_space<hbm>>
      tpu.wait_dma2 semaphore(%run_scoped3A : memref<!tpu.dma_semaphore, #tpu.memory_space<semaphore_mem>>) src(%dma_wait3A_29 : memref<80x128xi32, #tpu.memory_space<hbm>>) dst(%arg6 : memref<80x128xi32, #tpu.memory_space<vmem>>)
      tpu.yield
    }) : () -> ()
    %mul3A_11 = arith.constant 80 : i32
    %mul3A_12 = arith.muli %add3A, %mul3A_11 : i32
    "tpu.region"() ({
      %run_scoped3A = tpu.sem_alloc : memref<!tpu.dma_semaphore, #tpu.memory_space<semaphore_mem>>
      %dma_start3A = arith.constant 0 : i32
      %dma_start3A_24 = tpu.memref_slice %arg3[%mul3A_12, %dma_start3A] : memref<2560x128xi32, #tpu.memory_space<hbm>> -> memref<80x128xi32, #tpu.memory_space<hbm>>
      %dma_start3A_25 = arith.constant 0 : i32
      %dma_start3A_26 = tpu.memref_slice %arg3[%mul3A_12, %dma_start3A_25] : memref<2560x128xi32, #tpu.memory_space<hbm>> -> memref<80x128xi32, #tpu.memory_space<hbm>>
      tpu.enqueue_dma source(%dma_start3A_26 : memref<80x128xi32, #tpu.memory_space<hbm>>) target(%arg7 : memref<80x128xi32, #tpu.memory_space<vmem>>) target_semaphore(%run_scoped3A : memref<!tpu.dma_semaphore, #tpu.memory_space<semaphore_mem>>)
      %dma_wait3A = arith.constant 0 : i32
      %dma_wait3A_27 = tpu.memref_slice %arg3[%mul3A_12, %dma_wait3A] : memref<2560x128xi32, #tpu.memory_space<hbm>> -> memref<80x128xi32, #tpu.memory_space<hbm>>
      %dma_wait3A_28 = arith.constant 0 : i32
      %dma_wait3A_29 = tpu.memref_slice %arg3[%mul3A_12, %dma_wait3A_28] : memref<2560x128xi32, #tpu.memory_space<hbm>> -> memref<80x128xi32, #tpu.memory_space<hbm>>
      tpu.wait_dma2 semaphore(%run_scoped3A : memref<!tpu.dma_semaphore, #tpu.memory_space<semaphore_mem>>) src(%dma_wait3A_29 : memref<80x128xi32, #tpu.memory_space<hbm>>) dst(%arg7 : memref<80x128xi32, #tpu.memory_space<vmem>>)
      tpu.yield
    }) : () -> ()
    %scan3A_13 = arith.constant 0 : i32
    %scan3A_14 = arith.constant 0 : i32
    %scan3A_15 = arith.constant 80 : i32
    %scan3A_16 = arith.addi %scan3A_14, %scan3A_15 : i32
    %scan3A_17 = arith.constant 1 : i32
    scf.for %scan3A_24 = %scan3A_14 to %scan3A_16 step %scan3A_17  : i32 {
      %dma_start3A = arith.constant 0 : i32
      %dma_start3A_25 = tpu.memref_slice %arg6[%scan3A_24, %dma_start3A] : memref<80x128xi32, #tpu.memory_space<vmem>> -> memref<1x128xi32, #tpu.memory_space<vmem>>
      %dma_start3A_26 = tpu.memref_squeeze %dma_start3A_25 : memref<1x128xi32, #tpu.memory_space<vmem>> -> memref<128xi32, #tpu.memory_space<vmem>>
      %dma_start3A_27 = arith.constant 0 : i32
      %dma_start3A_28 = arith.constant 0 : i32
      %dma_start3A_29 = tpu.memref_slice %arg4[%dma_start3A_27, %dma_start3A_28] : memref<10240x128xf32, #tpu.memory_space<hbm>> -> memref<10240x128xf32, #tpu.memory_space<hbm>>
      tpu.enqueue_indirect_dma source(%dma_start3A_29 : memref<10240x128xf32, #tpu.memory_space<hbm>>) target(%arg8 : memref<128x128xf32, #tpu.memory_space<vmem>>) offsets(%dma_start3A_26 : memref<128xi32, #tpu.memory_space<vmem>>) semaphore(%arg11 : memref<!tpu.dma_semaphore, #tpu.memory_space<semaphore_mem>>)
      %dma_wait3A = arith.constant 0 : i32
      %dma_wait3A_30 = tpu.memref_slice %arg6[%scan3A_24, %dma_wait3A] : memref<80x128xi32, #tpu.memory_space<vmem>> -> memref<1x128xi32, #tpu.memory_space<vmem>>
      %dma_wait3A_31 = tpu.memref_squeeze %dma_wait3A_30 : memref<1x128xi32, #tpu.memory_space<vmem>> -> memref<128xi32, #tpu.memory_space<vmem>>
      %dma_wait3A_32 = arith.constant 0 : i32
      %dma_wait3A_33 = arith.constant 0 : i32
      %dma_wait3A_34 = tpu.memref_slice %arg4[%dma_wait3A_32, %dma_wait3A_33] : memref<10240x128xf32, #tpu.memory_space<hbm>> -> memref<10240x128xf32, #tpu.memory_space<hbm>>
      tpu.wait_indirect_dma semaphore(%arg11 : memref<!tpu.dma_semaphore, #tpu.memory_space<semaphore_mem>>) src(%dma_wait3A_34 : memref<10240x128xf32, #tpu.memory_space<hbm>>) dst(%arg8 : memref<128x128xf32, #tpu.memory_space<vmem>>)
      "tpu.region"() ({
        %run_scoped3A = tpu.sem_alloc : memref<!tpu.dma_semaphore, #tpu.memory_space<semaphore_mem>>
        %dma_start3A_35 = arith.constant 0 : i32
        %dma_start3A_36 = tpu.memref_slice %arg7[%scan3A_24, %dma_start3A_35] : memref<80x128xi32, #tpu.memory_space<vmem>> -> memref<1x128xi32, #tpu.memory_space<vmem>>
        %dma_start3A_37 = tpu.memref_squeeze %dma_start3A_36 : memref<1x128xi32, #tpu.memory_space<vmem>> -> memref<128xi32, #tpu.memory_space<vmem>>
        %dma_start3A_38 = arith.constant 0 : i32
        %dma_start3A_39 = arith.constant 0 : i32
        %dma_start3A_40 = tpu.memref_slice %arg10[%dma_start3A_38, %dma_start3A_39] : memref<2048x128xf32, #tpu.memory_space<vmem_shared>> -> memref<2048x128xf32, #tpu.memory_space<vmem_shared>>
        tpu.enqueue_indirect_dma source(%arg8 : memref<128x128xf32, #tpu.memory_space<vmem>>) target(%dma_start3A_40 : memref<2048x128xf32, #tpu.memory_space<vmem_shared>>) offsets(%dma_start3A_37 : memref<128xi32, #tpu.memory_space<vmem>>) semaphore(%run_scoped3A : memref<!tpu.dma_semaphore, #tpu.memory_space<semaphore_mem>>) {add = true}
        %dma_wait3A_41 = arith.constant 0 : i32
        %dma_wait3A_42 = tpu.memref_slice %arg7[%scan3A_24, %dma_wait3A_41] : memref<80x128xi32, #tpu.memory_space<vmem>> -> memref<1x128xi32, #tpu.memory_space<vmem>>
        %dma_wait3A_43 = tpu.memref_squeeze %dma_wait3A_42 : memref<1x128xi32, #tpu.memory_space<vmem>> -> memref<128xi32, #tpu.memory_space<vmem>>
        %dma_wait3A_44 = arith.constant 0 : i32
        %dma_wait3A_45 = arith.constant 0 : i32
        %dma_wait3A_46 = tpu.memref_slice %arg10[%dma_wait3A_44, %dma_wait3A_45] : memref<2048x128xf32, #tpu.memory_space<vmem_shared>> -> memref<2048x128xf32, #tpu.memory_space<vmem_shared>>
        tpu.wait_indirect_dma semaphore(%run_scoped3A : memref<!tpu.dma_semaphore, #tpu.memory_space<semaphore_mem>>) src(%arg8 : memref<128x128xf32, #tpu.memory_space<vmem>>) dst(%dma_wait3A_46 : memref<2048x128xf32, #tpu.memory_space<vmem_shared>>)
        tpu.yield
      }) : () -> ()
    }
    %scan3A_18 = arith.constant 80 : i32
    %barrier3A_19 = arith.constant 0 : index
    tpu.barrier barrier_id(%barrier3A_19)
    %mul3A_20 = arith.constant 128 : i32
    %mul3A_21 = arith.muli %arg1, %mul3A_20 : i32
    "tpu.region"() ({
      %run_scoped3A = tpu.sem_alloc : memref<!tpu.dma_semaphore, #tpu.memory_space<semaphore_mem>>
      %dma_start3A = arith.constant 0 : i32
      %dma_start3A_24 = tpu.memref_slice %arg10[%mul3A_21, %dma_start3A] : memref<2048x128xf32, #tpu.memory_space<vmem_shared>> -> memref<128x128xf32, #tpu.memory_space<vmem_shared>>
      %dma_start3A_25 = arith.constant 0 : i32
      %dma_start3A_26 = tpu.memref_slice %arg10[%mul3A_21, %dma_start3A_25] : memref<2048x128xf32, #tpu.memory_space<vmem_shared>> -> memref<128x128xf32, #tpu.memory_space<vmem_shared>>
      tpu.enqueue_dma source(%dma_start3A_26 : memref<128x128xf32, #tpu.memory_space<vmem_shared>>) target(%arg8 : memref<128x128xf32, #tpu.memory_space<vmem>>) target_semaphore(%run_scoped3A : memref<!tpu.dma_semaphore, #tpu.memory_space<semaphore_mem>>)
      %dma_wait3A = arith.constant 0 : i32
      %dma_wait3A_27 = tpu.memref_slice %arg10[%mul3A_21, %dma_wait3A] : memref<2048x128xf32, #tpu.memory_space<vmem_shared>> -> memref<128x128xf32, #tpu.memory_space<vmem_shared>>
      %dma_wait3A_28 = arith.constant 0 : i32
      %dma_wait3A_29 = tpu.memref_slice %arg10[%mul3A_21, %dma_wait3A_28] : memref<2048x128xf32, #tpu.memory_space<vmem_shared>> -> memref<128x128xf32, #tpu.memory_space<vmem_shared>>
      tpu.wait_dma2 semaphore(%run_scoped3A : memref<!tpu.dma_semaphore, #tpu.memory_space<semaphore_mem>>) src(%dma_wait3A_29 : memref<128x128xf32, #tpu.memory_space<vmem_shared>>) dst(%arg8 : memref<128x128xf32, #tpu.memory_space<vmem>>)
      tpu.yield
    }) : () -> ()
    %mul3A_22 = arith.constant 128 : i32
    %mul3A_23 = arith.muli %arg1, %mul3A_22 : i32
    "tpu.region"() ({
      %run_scoped3A = tpu.sem_alloc : memref<!tpu.dma_semaphore, #tpu.memory_space<semaphore_mem>>
      %dma_start3A = arith.constant 0 : i32
      %dma_start3A_24 = tpu.memref_slice %arg5[%arg0, %mul3A_23, %dma_start3A] : memref<2x2048x128xf32, #tpu.memory_space<hbm>> -> memref<1x128x128xf32, #tpu.memory_space<hbm>>
      %dma_start3A_25 = tpu.memref_squeeze %dma_start3A_24 : memref<1x128x128xf32, #tpu.memory_space<hbm>> -> memref<128x128xf32, #tpu.memory_space<hbm>>
      %dma_start3A_26 = arith.constant 0 : i32
      %dma_start3A_27 = tpu.memref_slice %arg5[%arg0, %mul3A_23, %dma_start3A_26] : memref<2x2048x128xf32, #tpu.memory_space<hbm>> -> memref<1x128x128xf32, #tpu.memory_space<hbm>>
      %dma_start3A_28 = tpu.memref_squeeze %dma_start3A_27 : memref<1x128x128xf32, #tpu.memory_space<hbm>> -> memref<128x128xf32, #tpu.memory_space<hbm>>
      tpu.enqueue_dma source(%arg8 : memref<128x128xf32, #tpu.memory_space<vmem>>) target(%dma_start3A_28 : memref<128x128xf32, #tpu.memory_space<hbm>>) target_semaphore(%run_scoped3A : memref<!tpu.dma_semaphore, #tpu.memory_space<semaphore_mem>>)
      %dma_wait3A = arith.constant 0 : i32
      %dma_wait3A_29 = tpu.memref_slice %arg5[%arg0, %mul3A_23, %dma_wait3A] : memref<2x2048x128xf32, #tpu.memory_space<hbm>> -> memref<1x128x128xf32, #tpu.memory_space<hbm>>
      %dma_wait3A_30 = tpu.memref_squeeze %dma_wait3A_29 : memref<1x128x128xf32, #tpu.memory_space<hbm>> -> memref<128x128xf32, #tpu.memory_space<hbm>>
      %dma_wait3A_31 = arith.constant 0 : i32
      %dma_wait3A_32 = tpu.memref_slice %arg5[%arg0, %mul3A_23, %dma_wait3A_31] : memref<2x2048x128xf32, #tpu.memory_space<hbm>> -> memref<1x128x128xf32, #tpu.memory_space<hbm>>
      %dma_wait3A_33 = tpu.memref_squeeze %dma_wait3A_32 : memref<1x128x128xf32, #tpu.memory_space<hbm>> -> memref<128x128xf32, #tpu.memory_space<hbm>>
      tpu.wait_dma2 semaphore(%run_scoped3A : memref<!tpu.dma_semaphore, #tpu.memory_space<semaphore_mem>>) src(%arg8 : memref<128x128xf32, #tpu.memory_space<vmem>>) dst(%dma_wait3A_33 : memref<128x128xf32, #tpu.memory_space<hbm>>)
      tpu.yield
    }) : () -> ()
    return
  }
}

module attributes {stable_mosaic.version = 14 : i64} {
  func.func @_tc_a_body(%arg0: memref<10240x1xi32, #tpu.memory_space<vmem>>, %arg1: memref<128x64xf32, #tpu.memory_space<vmem>>, %arg2: memref<64x64xf32, #tpu.memory_space<vmem>>, %arg3: memref<1x64xf32, #tpu.memory_space<vmem>>, %arg4: memref<64x64xf32, #tpu.memory_space<vmem>>, %arg5: memref<1x64xf32, #tpu.memory_space<vmem>>, %arg6: memref<10240x128xf32, #tpu.memory_space<vmem>>, %arg7: memref<10240x128xf32, #tpu.memory_space<vmem>>) attributes {dimension_semantics = [], scalar_prefetch = 0 : i64, scratch_operands = 0 : i64, tpu.core_type = #tpu.core_type<tc>} {
    %get3A = arith.constant 0 : index
    %get3A_0 = arith.constant 0 : index
    %get3A_1 = vector.load %arg0[%get3A, %get3A_0] : memref<10240x1xi32, #tpu.memory_space<vmem>>, vector<10240x1xi32>
    %iota3A = tpu.iota {dimensions = array<i32: 1>} : vector<10240x128xi32>
    %eq3A = vector.broadcast %get3A_1 : vector<10240x1xi32> to vector<10240x128xi32>
    %eq3A_2 = arith.cmpi eq, %eq3A, %iota3A : vector<10240x128xi32>
    %convert_element_type3A = arith.extui %eq3A_2 : vector<10240x128xi1> to vector<10240x128xi32>
    %convert_element_type3A_3 = arith.sitofp %convert_element_type3A : vector<10240x128xi32> to vector<10240x128xf32>
    %get3A_4 = arith.constant 0 : index
    %get3A_5 = arith.constant 0 : index
    %get3A_6 = vector.load %arg1[%get3A_4, %get3A_5] : memref<128x64xf32, #tpu.memory_space<vmem>>, vector<128x64xf32>
    %dot_general3A = arith.constant dense<0.000000e+00> : vector<10240x64xf32>
    %dot_general3A_7 = tpu.matmul %convert_element_type3A_3, %get3A_6, %dot_general3A {dimension_numbers = #tpu.dot_dimension_numbers<[1], [0], [0], [1], [0, 0, 1, 1], [], []>, transpose_lhs_hint = false} : vector<10240x128xf32>, vector<128x64xf32>, vector<10240x64xf32> -> vector<10240x64xf32>
    %iota3A_8 = tpu.iota {dimensions = array<i32: 1>} : vector<10240x64xi32>
    %eq3A_9 = arith.constant 0 : i32
    %eq3A_10 = vector.broadcast %eq3A_9 : i32 to vector<10240x64xi32>
    %eq3A_11 = arith.cmpi eq, %iota3A_8, %eq3A_10 : vector<10240x64xi32>
    %convert_element_type3A_12 = arith.extui %eq3A_11 : vector<10240x64xi1> to vector<10240x64xi32>
    %convert_element_type3A_13 = arith.sitofp %convert_element_type3A_12 : vector<10240x64xi32> to vector<10240x64xf32>
    %concatenate3A = tpu.concatenate %dot_general3A_7, %convert_element_type3A_13 in 1 : vector<10240x64xf32>, vector<10240x64xf32> -> vector<10240x128xf32>
    %swap3A = arith.constant 0 : index
    %swap3A_14 = arith.constant 0 : index
    %swap3A_15 = vector.load %arg6[%swap3A, %swap3A_14] : memref<10240x128xf32, #tpu.memory_space<vmem>>, vector<10240x128xf32>
    tpu.vector_store %arg6[%swap3A, %swap3A_14], %concatenate3A {strides = array<i32>} : memref<10240x128xf32, #tpu.memory_space<vmem>>, vector<10240x128xf32>,
    %get3A_16 = arith.constant 0 : index
    %get3A_17 = arith.constant 0 : index
    %get3A_18 = vector.load %arg2[%get3A_16, %get3A_17] : memref<64x64xf32, #tpu.memory_space<vmem>>, vector<64x64xf32>
    %dot_general3A_19 = arith.constant dense<0.000000e+00> : vector<10240x64xf32>
    %dot_general3A_20 = tpu.matmul %dot_general3A_7, %get3A_18, %dot_general3A_19 {dimension_numbers = #tpu.dot_dimension_numbers<[1], [0], [0], [1], [0, 0, 1, 1], [], []>, transpose_lhs_hint = false} : vector<10240x64xf32>, vector<64x64xf32>, vector<10240x64xf32> -> vector<10240x64xf32>
    %get3A_21 = arith.constant 0 : index
    %get3A_22 = arith.constant 0 : index
    %get3A_23 = vector.load %arg3[%get3A_21, %get3A_22] : memref<1x64xf32, #tpu.memory_space<vmem>>, vector<1x64xf32>
    %add3A = vector.broadcast %get3A_23 : vector<1x64xf32> to vector<10240x64xf32>
    %add3A_24 = arith.addf %dot_general3A_20, %add3A : vector<10240x64xf32>
    %get3A_25 = arith.constant 0 : index
    %get3A_26 = arith.constant 0 : index
    %get3A_27 = vector.load %arg4[%get3A_25, %get3A_26] : memref<64x64xf32, #tpu.memory_space<vmem>>, vector<64x64xf32>
    %dot_general3A_28 = arith.constant dense<0.000000e+00> : vector<10240x64xf32>
    %dot_general3A_29 = tpu.matmul %dot_general3A_7, %get3A_27, %dot_general3A_28 {dimension_numbers = #tpu.dot_dimension_numbers<[1], [0], [0], [1], [0, 0, 1, 1], [], []>, transpose_lhs_hint = false} : vector<10240x64xf32>, vector<64x64xf32>, vector<10240x64xf32> -> vector<10240x64xf32>
    %get3A_30 = arith.constant 0 : index
    %get3A_31 = arith.constant 0 : index
    %get3A_32 = vector.load %arg5[%get3A_30, %get3A_31] : memref<1x64xf32, #tpu.memory_space<vmem>>, vector<1x64xf32>
    %add3A_33 = vector.broadcast %get3A_32 : vector<1x64xf32> to vector<10240x64xf32>
    %add3A_34 = arith.addf %dot_general3A_29, %add3A_33 : vector<10240x64xf32>
    %concatenate3A_35 = tpu.concatenate %add3A_24, %add3A_34 in 1 : vector<10240x64xf32>, vector<10240x64xf32> -> vector<10240x128xf32>
    %swap3A_36 = arith.constant 0 : index
    %swap3A_37 = arith.constant 0 : index
    %swap3A_38 = vector.load %arg7[%swap3A_36, %swap3A_37] : memref<10240x128xf32, #tpu.memory_space<vmem>>, vector<10240x128xf32>
    tpu.vector_store %arg7[%swap3A_36, %swap3A_37], %concatenate3A_35 {strides = array<i32>} : memref<10240x128xf32, #tpu.memory_space<vmem>>, vector<10240x128xf32>,
    return
  }
}

module attributes {stable_mosaic.version = 14 : i64} {
  func.func @_tc_b_body(%arg0: memref<2x2048x128xf32, #tpu.memory_space<vmem>>, %arg1: memref<2048x96xf32, #tpu.memory_space<vmem>>, %arg2: memref<64x64xf32, #tpu.memory_space<vmem>>, %arg3: memref<96x64xf32, #tpu.memory_space<vmem>>, %arg4: memref<64x64xf32, #tpu.memory_space<vmem>>, %arg5: memref<96x64xf32, #tpu.memory_space<vmem>>, %arg6: memref<2048x128xf32, #tpu.memory_space<vmem>>) attributes {dimension_semantics = [], scalar_prefetch = 0 : i64, scratch_operands = 0 : i64, tpu.core_type = #tpu.core_type<tc>} {
    %get3A = arith.constant 0 : index
    %get3A_0 = arith.constant 0 : index
    %get3A_1 = arith.constant 0 : index
    %get3A_2 = vector.load %arg0[%get3A, %get3A_0, %get3A_1] : memref<2x2048x128xf32, #tpu.memory_space<vmem>>, vector<1x2048x128xf32>
    %get3A_3 = vector.shape_cast %get3A_2 : vector<1x2048x128xf32> to vector<2048x128xf32>
    %get3A_4 = arith.constant 1 : index
    %get3A_5 = arith.constant 0 : index
    %get3A_6 = arith.constant 0 : index
    %get3A_7 = vector.load %arg0[%get3A_4, %get3A_5, %get3A_6] : memref<2x2048x128xf32, #tpu.memory_space<vmem>>, vector<1x2048x128xf32>
    %get3A_8 = vector.shape_cast %get3A_7 : vector<1x2048x128xf32> to vector<2048x128xf32>
    %add3A = arith.addf %get3A_3, %get3A_8 : vector<2048x128xf32>
    %slice3A = vector.extract_strided_slice %add3A {offsets = [0, 0], sizes = [2048, 64], strides = [1, 1]} : vector<2048x128xf32> to vector<2048x64xf32>
    %slice3A_9 = vector.extract_strided_slice %add3A {offsets = [0, 64], sizes = [2048, 64], strides = [1, 1]} : vector<2048x128xf32> to vector<2048x64xf32>
    %reduce_sum3A = arith.constant dense<0.000000e+00> : vector<2048xf32>
    %reduce_sum3A_10 = vector.multi_reduction <add>, %slice3A_9, %reduce_sum3A [1] : vector<2048x64xf32> to vector<2048xf32>
    %broadcast_in_dim3A = vector.shape_cast %reduce_sum3A_10 : vector<2048xf32> to vector<2048x1xf32>
    %max3A = arith.constant 1.000000e+00 : f32
    %max3A_11 = vector.broadcast %max3A : f32 to vector<2048x1xf32>
    %max3A_12 = arith.maximumf %broadcast_in_dim3A, %max3A_11 : vector<2048x1xf32>
    %div3A = vector.broadcast %max3A_12 : vector<2048x1xf32> to vector<2048x64xf32>
    %div3A_13 = arith.divf %slice3A, %div3A : vector<2048x64xf32>
    %get3A_14 = arith.constant 0 : index
    %get3A_15 = arith.constant 0 : index
    %get3A_16 = vector.load %arg1[%get3A_14, %get3A_15] : memref<2048x96xf32, #tpu.memory_space<vmem>>, vector<2048x96xf32>
    %get3A_17 = arith.constant 0 : index
    %get3A_18 = arith.constant 0 : index
    %get3A_19 = vector.load %arg2[%get3A_17, %get3A_18] : memref<64x64xf32, #tpu.memory_space<vmem>>, vector<64x64xf32>
    %dot_general3A = arith.constant dense<0.000000e+00> : vector<2048x64xf32>
    %dot_general3A_20 = tpu.matmul %div3A_13, %get3A_19, %dot_general3A {dimension_numbers = #tpu.dot_dimension_numbers<[1], [0], [0], [1], [0, 0, 1, 1], [], []>, transpose_lhs_hint = false} : vector<2048x64xf32>, vector<64x64xf32>, vector<2048x64xf32> -> vector<2048x64xf32>
    %get3A_21 = arith.constant 0 : index
    %get3A_22 = arith.constant 0 : index
    %get3A_23 = vector.load %arg3[%get3A_21, %get3A_22] : memref<96x64xf32, #tpu.memory_space<vmem>>, vector<96x64xf32>
    %dot_general3A_24 = arith.constant dense<0.000000e+00> : vector<2048x64xf32>
    %dot_general3A_25 = tpu.matmul %get3A_16, %get3A_23, %dot_general3A_24 {dimension_numbers = #tpu.dot_dimension_numbers<[1], [0], [0], [1], [0, 0, 1, 1], [], []>, transpose_lhs_hint = false} : vector<2048x96xf32>, vector<96x64xf32>, vector<2048x64xf32> -> vector<2048x64xf32>
    %add3A_26 = arith.addf %dot_general3A_20, %dot_general3A_25 : vector<2048x64xf32>
    %get3A_27 = arith.constant 0 : index
    %get3A_28 = arith.constant 0 : index
    %get3A_29 = vector.load %arg4[%get3A_27, %get3A_28] : memref<64x64xf32, #tpu.memory_space<vmem>>, vector<64x64xf32>
    %dot_general3A_30 = arith.constant dense<0.000000e+00> : vector<2048x64xf32>
    %dot_general3A_31 = tpu.matmul %div3A_13, %get3A_29, %dot_general3A_30 {dimension_numbers = #tpu.dot_dimension_numbers<[1], [0], [0], [1], [0, 0, 1, 1], [], []>, transpose_lhs_hint = false} : vector<2048x64xf32>, vector<64x64xf32>, vector<2048x64xf32> -> vector<2048x64xf32>
    %get3A_32 = arith.constant 0 : index
    %get3A_33 = arith.constant 0 : index
    %get3A_34 = vector.load %arg5[%get3A_32, %get3A_33] : memref<96x64xf32, #tpu.memory_space<vmem>>, vector<96x64xf32>
    %dot_general3A_35 = arith.constant dense<0.000000e+00> : vector<2048x64xf32>
    %dot_general3A_36 = tpu.matmul %get3A_16, %get3A_34, %dot_general3A_35 {dimension_numbers = #tpu.dot_dimension_numbers<[1], [0], [0], [1], [0, 0, 1, 1], [], []>, transpose_lhs_hint = false} : vector<2048x96xf32>, vector<96x64xf32>, vector<2048x64xf32> -> vector<2048x64xf32>
    %add3A_37 = arith.addf %dot_general3A_31, %dot_general3A_36 : vector<2048x64xf32>
    %concatenate3A = tpu.concatenate %add3A_26, %add3A_37 in 1 : vector<2048x64xf32>, vector<2048x64xf32> -> vector<2048x128xf32>
    %swap3A = arith.constant 0 : index
    %swap3A_38 = arith.constant 0 : index
    %swap3A_39 = vector.load %arg6[%swap3A, %swap3A_38] : memref<2048x128xf32, #tpu.memory_space<vmem>>, vector<2048x128xf32>
    tpu.vector_store %arg6[%swap3A, %swap3A_38], %concatenate3A {strides = array<i32>} : memref<2048x128xf32, #tpu.memory_space<vmem>>, vector<2048x128xf32>,
    return
  }
}

module attributes {stable_mosaic.version = 14 : i64} {
  func.func @_tc_c_body(%arg0: memref<2x10016x64xf32, #tpu.memory_space<vmem>>, %arg1: memref<10000x1xf32, #tpu.memory_space<vmem>>, %arg2: memref<10240x128xf32, #tpu.memory_space<vmem>>, %arg3: memref<10000x1xi32, #tpu.memory_space<vmem>>, %arg4: memref<64x128xf32, #tpu.memory_space<vmem>>, %arg5: memref<1x128xf32, #tpu.memory_space<vmem>>, %arg6: memref<128x1xf32, #tpu.memory_space<vmem>>, %arg7: memref<1x1xf32, #tpu.memory_space<vmem>>, %arg8: memref<64x1xf32, #tpu.memory_space<vmem>>) attributes {dimension_semantics = [], scalar_prefetch = 0 : i64, scratch_operands = 0 : i64, tpu.core_type = #tpu.core_type<tc>} {
    %get3A = arith.constant 0 : index
    %get3A_0 = arith.constant 0 : index
    %get3A_1 = arith.constant 0 : index
    %get3A_2 = vector.load %arg0[%get3A, %get3A_0, %get3A_1] : memref<2x10016x64xf32, #tpu.memory_space<vmem>>, vector<1x10016x64xf32>
    %get3A_3 = vector.shape_cast %get3A_2 : vector<1x10016x64xf32> to vector<10016x64xf32>
    %get3A_4 = arith.constant 1 : index
    %get3A_5 = arith.constant 0 : index
    %get3A_6 = arith.constant 0 : index
    %get3A_7 = vector.load %arg0[%get3A_4, %get3A_5, %get3A_6] : memref<2x10016x64xf32, #tpu.memory_space<vmem>>, vector<1x10016x64xf32>
    %get3A_8 = vector.shape_cast %get3A_7 : vector<1x10016x64xf32> to vector<10016x64xf32>
    %add3A = arith.addf %get3A_3, %get3A_8 : vector<10016x64xf32>
    %slice3A = vector.extract_strided_slice %add3A {offsets = [0, 0], sizes = [10000, 64], strides = [1, 1]} : vector<10016x64xf32> to vector<10000x64xf32>
    %get3A_9 = arith.constant 0 : index
    %get3A_10 = arith.constant 0 : index
    %get3A_11 = vector.load %arg1[%get3A_9, %get3A_10] : memref<10000x1xf32, #tpu.memory_space<vmem>>, vector<10000x1xf32>
    %max3A = arith.constant 1.000000e+00 : f32
    %max3A_12 = vector.broadcast %max3A : f32 to vector<10000x1xf32>
    %max3A_13 = arith.maximumf %get3A_11, %max3A_12 : vector<10000x1xf32>
    %div3A = vector.broadcast %max3A_13 : vector<10000x1xf32> to vector<10000x64xf32>
    %div3A_14 = arith.divf %slice3A, %div3A : vector<10000x64xf32>
    %get3A_15 = arith.constant 0 : index
    %get3A_16 = arith.constant 0 : index
    %get3A_17 = vector.load %arg2[%get3A_15, %get3A_16] : memref<10240x128xf32, #tpu.memory_space<vmem>>, vector<10240x128xf32>
    %slice3A_18 = vector.extract_strided_slice %get3A_17 {offsets = [0, 0], sizes = [10000, 64], strides = [1, 1]} : vector<10240x128xf32> to vector<10000x64xf32>
    %add3A_19 = arith.addf %div3A_14, %slice3A_18 : vector<10000x64xf32>
    %max3A_20 = arith.constant 0.000000e+00 : f32
    %max3A_21 = vector.broadcast %max3A_20 : f32 to vector<10000x64xf32>
    %max3A_22 = arith.maximumf %add3A_19, %max3A_21 : vector<10000x64xf32>
    %get3A_23 = arith.constant 0 : index
    %get3A_24 = arith.constant 0 : index
    %get3A_25 = vector.load %arg3[%get3A_23, %get3A_24] : memref<10000x1xi32, #tpu.memory_space<vmem>>, vector<10000x1xi32>
    %iota3A = tpu.iota {dimensions = array<i32: 1>} : vector<10000x64xi32>
    %eq3A = vector.broadcast %get3A_25 : vector<10000x1xi32> to vector<10000x64xi32>
    %eq3A_26 = arith.cmpi eq, %eq3A, %iota3A : vector<10000x64xi32>
    %convert_element_type3A = arith.extui %eq3A_26 : vector<10000x64xi1> to vector<10000x64xi32>
    %convert_element_type3A_27 = arith.sitofp %convert_element_type3A : vector<10000x64xi32> to vector<10000x64xf32>
    %dot_general3A = arith.constant dense<0.000000e+00> : vector<64x64xf32>
    %dot_general3A_28 = tpu.matmul %convert_element_type3A_27, %max3A_22, %dot_general3A {dimension_numbers = #tpu.dot_dimension_numbers<[0], [0], [1], [1], [0, 1, 1, 1], [], []>, transpose_lhs_hint = false} : vector<10000x64xf32>, vector<10000x64xf32>, vector<64x64xf32> -> vector<64x64xf32>
    %broadcast_in_dim3A = arith.constant 1.000000e+00 : f32
    %broadcast_in_dim3A_29 = vector.broadcast %broadcast_in_dim3A : f32 to vector<10000x1xf32>
    %dot_general3A_30 = arith.constant dense<0.000000e+00> : vector<64x1xf32>
    %dot_general3A_31 = tpu.matmul %convert_element_type3A_27, %broadcast_in_dim3A_29, %dot_general3A_30 {dimension_numbers = #tpu.dot_dimension_numbers<[0], [0], [1], [1], [0, 1, 1, 1], [], []>, transpose_lhs_hint = false} : vector<10000x64xf32>, vector<10000x1xf32>, vector<64x1xf32> -> vector<64x1xf32>
    %max3A_32 = arith.constant 1.000000e+00 : f32
    %max3A_33 = vector.broadcast %max3A_32 : f32 to vector<64x1xf32>
    %max3A_34 = arith.maximumf %dot_general3A_31, %max3A_33 : vector<64x1xf32>
    %div3A_35 = vector.broadcast %max3A_34 : vector<64x1xf32> to vector<64x64xf32>
    %div3A_36 = arith.divf %dot_general3A_28, %div3A_35 : vector<64x64xf32>
    %get3A_37 = arith.constant 0 : index
    %get3A_38 = arith.constant 0 : index
    %get3A_39 = vector.load %arg4[%get3A_37, %get3A_38] : memref<64x128xf32, #tpu.memory_space<vmem>>, vector<64x128xf32>
    %dot_general3A_40 = arith.constant dense<0.000000e+00> : vector<64x128xf32>
    %dot_general3A_41 = tpu.matmul %div3A_36, %get3A_39, %dot_general3A_40 {dimension_numbers = #tpu.dot_dimension_numbers<[1], [0], [0], [1], [0, 0, 1, 1], [], []>, transpose_lhs_hint = false} : vector<64x64xf32>, vector<64x128xf32>, vector<64x128xf32> -> vector<64x128xf32>
    %get3A_42 = arith.constant 0 : index
    %get3A_43 = arith.constant 0 : index
    %get3A_44 = vector.load %arg5[%get3A_42, %get3A_43] : memref<1x128xf32, #tpu.memory_space<vmem>>, vector<1x128xf32>
    %add3A_45 = vector.broadcast %get3A_44 : vector<1x128xf32> to vector<64x128xf32>
    %add3A_46 = arith.addf %dot_general3A_41, %add3A_45 : vector<64x128xf32>
    %max3A_47 = arith.constant 0.000000e+00 : f32
    %max3A_48 = vector.broadcast %max3A_47 : f32 to vector<64x128xf32>
    %max3A_49 = arith.maximumf %add3A_46, %max3A_48 : vector<64x128xf32>
    %abs3A = math.absf %add3A_46 : vector<64x128xf32>
    %neg3A = arith.constant 0.000000e+00 : f32
    %neg3A_50 = vector.broadcast %neg3A : f32 to vector<64x128xf32>
    %neg3A_51 = arith.subf %neg3A_50, %abs3A : vector<64x128xf32>
    %exp3A = math.exp %neg3A_51 : vector<64x128xf32>
    %log1p3A = math.log1p %exp3A : vector<64x128xf32>
    %add3A_52 = arith.addf %max3A_49, %log1p3A : vector<64x128xf32>
    %get3A_53 = arith.constant 0 : index
    %get3A_54 = arith.constant 0 : index
    %get3A_55 = vector.load %arg6[%get3A_53, %get3A_54] : memref<128x1xf32, #tpu.memory_space<vmem>>, vector<128x1xf32>
    %dot_general3A_56 = arith.constant dense<0.000000e+00> : vector<64x1xf32>
    %dot_general3A_57 = tpu.matmul %add3A_52, %get3A_55, %dot_general3A_56 {dimension_numbers = #tpu.dot_dimension_numbers<[1], [0], [0], [1], [0, 0, 1, 1], [], []>, transpose_lhs_hint = false} : vector<64x128xf32>, vector<128x1xf32>, vector<64x1xf32> -> vector<64x1xf32>
    %get3A_58 = arith.constant 0 : index
    %get3A_59 = arith.constant 0 : index
    %get3A_60 = vector.load %arg7[%get3A_58, %get3A_59] : memref<1x1xf32, #tpu.memory_space<vmem>>, vector<1x1xf32>
    %add3A_61 = vector.broadcast %get3A_60 : vector<1x1xf32> to vector<64x1xf32>
    %add3A_62 = arith.addf %dot_general3A_57, %add3A_61 : vector<64x1xf32>
    %swap3A = arith.constant 0 : index
    %swap3A_63 = arith.constant 0 : index
    %swap3A_64 = vector.load %arg8[%swap3A, %swap3A_63] : memref<64x1xf32, #tpu.memory_space<vmem>>, vector<64x1xf32>
    tpu.vector_store %arg8[%swap3A, %swap3A_63], %add3A_62 {strides = array<i32>} : memref<64x1xf32, #tpu.memory_space<vmem>>, vector<64x1xf32>,
    return
  }
}

</mosaic_0001>

<sc_bundles>
// kernel: kernel.6.cloned.1.call-start
scs
__scs_entry_jumppad:
0x0: {  	(pc) =	sbr.rel $0x88, $3  }
0x1: {  	(tag) =	ssettag $0x0;
	lr =	simm.s32 $0x1  }
0x2: {  	[smem:$0x3F94] =	sst lr;
	_ =	strace $0xD0000000  }
0x3: {  	_ = 	snop  }
0x4: {  	_ = 	snop  }
0x5: {  	_ = 	snop  }
0x6: {  	_ = 	snop  }
0x7: {  	_ = 	snop  }
__scs_overlays_trampoline_lowered:
0x8: {  	[smem:$0x3FA3] =	sst s0  }
0x9: {  	[smem:$0x3FA4] =	sst s1  }
0xa: {  	[smem:$0x3FA5] =	sst s2  }
0xb: {  	[smem:$0x3FA6] =	sst s3  }
0xc: {  	[smem:$0x3FA7] =	sst s4  }
0xd: {  	[smem:$0x3FA8] =	sst s5  }
0xe: {  	[smem:$0x3FA9] =	sst s6  }
0xf: {  	[smem:$0x3FAA] =	sst s7  }
0x10: {  	[smem:$0x3FAB] =	sst s8  }
0x11: {  	[smem:$0x3FAC] =	sst s9;
	s0 =	simm.s32 @!p0 $0x0  }
0x12: {  	s1 =	sld [smem:$0x3F92];
	s0 =	simm.s32 @p0 $0x1  }
0x13: {  	[smem:$0x3FAD] =	sst s0;
	s0 =	simm.s32 @!p1 $0x0  }
0x14: {  	s2 =	sld [smem:$0x3F91];
	s0 =	simm.s32 @p1 $0x1  }
0x15: {  	[smem:$0x3FAE] =	sst s0;
	s0 =	simm.s32 @!p2 $0x0  }
0x16: {  	s3 =	sld [smem:$0x3FDB];
	s0 =	simm.s32 @p2 $0x1  }
0x17: {  	s4 =	simm.s32 $0x1BF5;
	[smem:$0x3FB0] =	sst s0  }
0x18: {  	s0 =	sld [smem:$0x3F93];
	_ =	swait.ge [sflag:s4], $0x0  }
0x19: {  	s7 =	sld [smem:$0x3F94]  }
0x1a: {  	s8 =	sadd.s32 $0xFFFFE003, lr  }
0x1b: {  	s9 =	sadd.s32 $0xFFFFFEF7, lr;
	s5 =	simm.s32 $0xFFFFFFFF;
	p2 =	slt.u32 s8, $0xFFFFF086  }
0x1c: {  	p1 =	slt.u32 s9, $0xF7A;
	s5 =	simm.s32 @!p2 $0x0  }
0x1d: {  	s5 =	simm.s32 @p1 $0x1;
	p0 =	seq.s32 s7, s2  }
0x1e: {  	s7 =	smul.u32 @!p0 $0xF7A, s2;
	p2 =	seq.s32 @!p0 s5, $0x0  }
0x1f: {  	s9 =	smul.u32 $0xF7A, s1;
	s8 =	simm.s32 @!p0 $0x1BF5;
	p2 =	por !p2, p0  }
0x20: {  	[sflag:s8] =	ssyncset.s32 @!p0 $0xFFFFF086;
	s6 =	sadd.s32 @!p0 s3, s7;
	s7 =	simm.s32 @!p0 $0x108  }
0x21: {  	s3 =	sadd.s32 s3, s9;
	s6 =	sadd.s32 @!p0 $0x88, s6;
	s7 =	simm.s32 @p2 $0x1082  }
0x22: {  	[simem:s7], [sflag:s8] =	dma.local @!p0 [hbm:s6], $0xF7A  }
0x23: {  	s9 =	sor.u32 $0xD0000000, s2;
	s6 =	simm.s32 $0x108;
	_ =	swait.ge @!p0 [sflag:s8], $0x0  }
0x24: {  	s3 =	sadd.s32 $0x88, s3;
	s6 =	simm.s32 @!p1 $0x1082;
	[sflag:s4] =	ssyncset.s32 $0xFFFFF086  }
0x25: {  	[simem:s6], [sflag:s4] =	dma.local [hbm:s3], $0xF7A  }
0x26: {  	[smem:$0x3F94] =	sst s1;
	(tag) =	ssettag s2;
	_ =	strace s9  }
0x27: {  	s1 =	sld [smem:$0x3FA4]  }
0x28: {  	s2 =	sld [smem:$0x3FA5]  }
0x29: {  	s4 =	sld [smem:$0x3FA7]  }
0x2a: {  	p0 =	seq.s32 s5, $0x0;
	s5 =	sld [smem:$0x3FA8]  }
0x2b: {  	s6 =	sld [smem:$0x3FA9]  }
0x2c: {  	s7 =	sld [smem:$0x3FAA]  }
0x2d: {  	s3 =	simm.s32 $0x108;
	s8 =	sld [smem:$0x3FAB]  }
0x2e: {  	s3 =	simm.s32 @!p0 $0x1082;
	s9 =	sld [smem:$0x3FAC]  }
0x2f: {  	lr =	sadd.s32 s0, s3;
	s0 =	sld [smem:$0x3FA3]  }
0x30: {  	s3 =	sld [smem:$0x3FA6]  }
0x31: {  	[smem:$0x3FAF] =	sst s10  }
0x32: {  	s10 =	sld [smem:$0x3FAD];
	_ =	sdelay $0x3  }
0x33: {  	p0 =	seq.s32 s10, $0x1;
	s10 =	sld [smem:$0x3FAF];
	_ =	sdelay $0x3  }
0x34: {  	[smem:$0x3FAF] =	sst s10  }
0x35: {  	s10 =	sld [smem:$0x3FAE];
	_ =	sdelay $0x3  }
0x36: {  	p1 =	seq.s32 s10, $0x1;
	s10 =	sld [smem:$0x3FAF];
	_ =	sdelay $0x3  }
0x37: {  	[smem:$0x3FAF] =	sst s10  }
0x38: {  	s10 =	sld [smem:$0x3FB0]  }
0x39: {  	_ = 	snop;
	(pc) =	sbr.ind lr, $3  }
0x3a: {  	_ = 	snop  }
0x3b: {  	_ = 	snop  }
0x3c: {  	p2 =	seq.s32 s10, $0x1;
	s10 =	sld [smem:$0x3FAF]  }
0x3d: {  	_ =	shalt  }
0x3e: {  	_ =	shalt  }
0x3f: {  	_ =	shalt  }
0x40: {  	_ =	shalt  }
0x41: {  	_ =	shalt  }
0x42: {  	_ =	shalt  }
0x43: {  	_ =	shalt  }
0x44: {  	_ =	shalt  }
0x45: {  	_ =	shalt  }
0x46: {  	_ =	shalt  }
0x47: {  	_ =	shalt  }
0x48: {  	_ =	shalt  }
0x49: {  	_ =	shalt  }
0x4a: {  	_ =	shalt  }
0x4b: {  	_ =	shalt  }
0x4c: {  	_ =	shalt  }
0x4d: {  	_ =	shalt  }
0x4e: {  	_ =	shalt  }
0x4f: {  	_ =	shalt  }
0x50: {  	_ =	shalt  }
0x51: {  	_ =	shalt  }
0x52: {  	_ =	shalt  }
0x53: {  	_ =	shalt  }
0x54: {  	_ =	shalt  }
0x55: {  	_ =	shalt  }
0x56: {  	_ =	shalt  }
0x57: {  	_ =	shalt  }
0x58: {  	_ =	shalt  }
0x59: {  	_ =	shalt  }
0x5a: {  	_ =	shalt  }
0x5b: {  	_ =	shalt  }
0x5c: {  	_ =	shalt  }
0x5d: {  	_ =	shalt  }
0x5e: {  	_ =	shalt  }
0x5f: {  	_ =	shalt  }
0x60: {  	_ =	shalt  }
0x61: {  	_ =	shalt  }
0x62: {  	_ =	shalt  }
0x63: {  	_ =	shalt  }
0x64: {  	_ =	shalt  }
0x65: {  	_ =	shalt  }
0x66: {  	_ =	shalt  }
0x67: {  	_ =	shalt  }
0x68: {  	_ =	shalt  }
0x69: {  	_ =	shalt  }
0x6a: {  	_ =	shalt  }
0x6b: {  	_ =	shalt  }
0x6c: {  	_ =	shalt  }
0x6d: {  	_ =	shalt  }
0x6e: {  	_ =	shalt  }
0x6f: {  	_ =	shalt  }
0x70: {  	_ =	shalt  }
0x71: {  	_ =	shalt  }
0x72: {  	_ =	shalt  }
0x73: {  	_ =	shalt  }
0x74: {  	_ =	shalt  }
0x75: {  	_ =	shalt  }
0x76: {  	_ =	shalt  }
0x77: {  	_ =	shalt  }
0x78: {  	_ =	shalt  }
0x79: {  	_ =	shalt  }
0x7a: {  	_ =	shalt  }
0x7b: {  	_ =	shalt  }
0x7c: {  	_ =	shalt  }
0x7d: {  	_ =	shalt  }
0x7e: {  	_ =	shalt  }
0x7f: {  	_ =	shalt  }
0x80: {  	_ =	shalt  }
0x81: {  	_ =	shalt  }
0x82: {  	_ =	shalt  }
0x83: {  	_ =	shalt  }
0x84: {  	_ =	shalt  }
0x85: {  	_ =	shalt  }
0x86: {  	_ =	shalt  }
0x87: {  	_ =	shalt  }
.Lfunc_end0:
.L_simem_size_0:
called_computation.2_lowered:
.L_overlay_start_0:
0x88: {  	s2 =	sld [smem:$0x3FD9]  }
0x89: {  	s3 =	sld [smem:$0x3FFE];
	_ =	sdelay $0x1  }
0x8a: {  	s1 =	srdreg.scid  }
0x8b: {  	s0 =	sand.u32 $0x1, s1  }
0x8c: {  	s16 =	sshll.u32 s0, $0xA;
	s2 =	sadd.s32 s3, s2  }
0x8d: {  	s2 =	sadd.s32 s2, s16  }
0x8e: {  	[smem:$0x3FBB] =	sst s2  }
0x8f: {  	_ = 	snop  }
0x90: {  	(tm) =	ssettm $0x1  }
0x91: {  	s17 =	sld [smem:$0x3FFB];
	_ =	sdelay $0x3  }
0x92: {  	_ =	strace s17  }
0x93: {  	s2 =	sld [smem:$0x3FFC];
	_ =	sdelay $0x3  }
0x94: {  	_ =	strace s2  }
0x95: {  	s2 =	sld [smem:$0x3FFD];
	_ =	sdelay $0x3  }
0x96: {  	_ =	strace s2  }
0x97: {  	_ =	strace $0x8FFFFFFF  }
0x98: {  	s18 =	sld [smem:$0x3FDB];
	_ =	sdelay $0x1  }
0x99: {  	s19 =	simm.s32 $_scs_section_size  }
0x9a: {  	s4 =	simm.s32 $_size__tile_overlayer_lowered;
	s5 =	simm.s32 $_tile_overlayer_lowered  }
0x9b: {  	s22 =	simm.s32 $0x1BFF;
	s21 =	sshll.u32 s5, $0x1;
	s2 =	sadd.s32 s19, s18  }
0x9c: {  	s6 =	simm.s32 $0x0;
	s20 =	sshll.u32 s4, $0x1;
	s4 =	sadd.s32 s21, s2  }
0x9d: {  	[timem:s6], [sflag:s22] =	dma.local [hbm:s4], s20  }
0x9e: {  	_ =	swait.ge [sflag:s22], s20  }
0x9f: {  	s3 =	ssub.s32 $0x0, s20;
	[sflag:s22] =	ssyncset.done $0x0  }
0xa0: {  	[sflag:s22] =	ssyncadd.s32 s3;
	_ =	sdelay $0x1  }
0xa1: {  	s23 =	simm.s32 $0x1B8B  }
0xa2: {  	_ =	swait.ge [sflag:s23], $0x1  }
0xa3: {  	[sflag:s23] =	ssyncset.done $0x0  }
0xa4: {  	s25 =	simm.s32 $0x1B8E;
	s24 =	sld [smem:$0x3FFE];
	[sflag:s23] =	ssyncadd.s32 $0xFFFFFFFF  }
0xa5: {  	s26 =	simm.s32 $execute0_lowered;
	[smem:$0x3FD2] =	sst s25  }
0xa6: {  	s4 =	sshll.u32 s26, $0x1;
	_ =	strace $0x80000046;
	[dreg:$0x1] =	wrdreg $0xFFFFFFFF  }
0xa7: {  	s28 =	simm.s32 $_size_execute0_lowered;
	s2 =	sadd.s32 s2, s4;
	[dreg:$0x0] =	wrdreg $0x0  }
0xa8: {  	s4 =	sshll.u32 s28, $0x1;
	[dreg:$0x2] =	wrdreg s2  }
0xa9: {  	[dreg:$0x3] =	wrdreg s4  }
0xaa: {  	[dreg:$0x4] =	wrdreg $0xC0  }
0xab: {  	_ =	task [dreg:s6], $0x5FFFF  }
0xac: {  	[dreg:$0x1] =	wrdreg $0xFFFFFFFF  }
0xad: {  	[dreg:$0x0] =	wrdreg $0x60  }
0xae: {  	[dreg:$0x2] =	wrdreg s24  }
0xaf: {  	[dreg:$0x3] =	wrdreg $0xD0000  }
0xb0: {  	[dreg:$0x4] =	wrdreg $0x9  }
0xb1: {  	_ =	task.clear_ibuf [dreg:s6], $0x5FFFF;
	_ =	strace $0x90000046  }
0xb2: {  	s29 =	simm.s32 $0x9;
	_ =	strace $0x80000048  }
0xb3: {  	_ =	swait.ge [sflag:s29], $0x1  }
0xb4: {  	[sflag:s29] =	ssyncadd.s32 $0xFFFFFFFF  }
0xb5: {  	_ =	strace $0x90000048  }
0xb6: {  	_ =	sfence  }
0xb7: {  	s30 =	sld [smem:$0x0];
	_ =	sdelay $0x2  }
0xb8: {  	s31 =	sshll.u32 s1, $0xD;
	s1 =	sshrl.u32 s1, $0x2  }
0xb9: {  	s3 =	sand.u32 $0x4000, s31;
	s1 =	sadd.s32 s1, s30  }
0xba: {  	s0 =	sor.u32 s3, s0;
	s1 =	sshll.u32 s1, $0x11  }
0xbb: {  	s0 =	sor.u32 s1, s0  }
0xbc: {  	s0 =	sadd.s32 $0x8F2B, s0  }
0xbd: {  	[sflag:s0] =	ssyncadd.remote.s32 $0x1  }
0xbe: {  	_ =	sfence.sel $0xFFFF  }
0xbf: {  	[dreg:$0x0] =	wrdreg $0xFFFFFFFF;
	(pc) =	sbr.abs _section_cstart, $3  }
0xc0: {  	[dreg:$0x1] =	wrdreg $0xFFFFFFFF  }
0xc1: {  	_ =	task.clear_ibuf [dreg:s6], $0x2FFFF;
	_ =	strace $0x9FFFFFFF  }
0xc2: {  	(tm) =	ssettm $0x7FFFFFFF  }
0xc3: {  	_ =	shalt  }
tec
execute0_lowered:
.L_overlay_start_1:
0x0: {  	(tag) =	ssettag $0x1  }
0x1: {  	s1 =	srdreg.scid;
	s5 =	rddreg [dreg:$0x0]  }
0x2: {  	s0 =	stileid.u32;
	s2 =	rddreg [dreg:$0x1]  }
0x3: {  	s3 =	simm.s32 $0x0;
	s11 =	simm.s32 $0x2;
	s12 =	simm.s32 $0x2800  }
0x4: {  	s13 =	simm.s32 $0x80;
	s14 =	simm.s32 $0x5000;
	s15 =	simm.s32 $0x1  }
0x5: {  	s16 =	simm.s32 $0x0;
	s6 =	sand.u32 $0x1, s1;
	s1 =	rddreg [dreg:$0x2]  }
0x6: {  	s29 =	sshll.u32 s0, $0x1;
	[smem:$0x7FF] =	sst s3;
	s8 =	sshll.u32 s0, $0xB  }
0x7: {  	s10 =	sshll.u32 s0, $0xE;
	s4 =	sor.u32 s6, s29;
	s9 =	ssub.s32 $0x2, s6  }
0x8: {  	s8 =	sadd.s32 s8, s5;
	s31 =	sshll.u32 s6, $0xF;
	s4 =	smul.u32 $0x500, s4  }
0x9: {  	_ =	strace $0x80000047;
	s30 =	sshrl.u32 s9, $0x1;
	s8 =	sadd.s32 s31, s8  }
0xa: {  	s9 =	ssub.s32 s9, s30;
	s8 =	sadd.s32 $0x52200, s8;
	s7 =	sadd.s32 s4, s5  }
0xb: {  	s4 =	sadd.s32 $0x2A200, s5;
	s5 =	sadd.s32 s10, s2;
	s9 =	smax.u32 s9, $0x1  }
0xc: {  	v0 =	vimm.f32 $0.0e+00;
	s10 =	simm.s32 $0x9000;
	s6 =	sadd.s32 $0xC200, s7;
	s7 =	sadd.s32 $0x16200, s7  }
.LBB2_1:
0xd: {  	s17 =	simm.s32 $0x0;
	s18 =	simm.s32 $0x200  }
.LBB2_2:
0xe: {  	p0 =	sne.s32 s18, $0xFE00;
	[tilespmem:s17+$0x9070] =	vst v0  }
0xf: {  	[tilespmem:s17+$0x9000] =	vst v0  }
0x10: {  	[tilespmem:s17+$0x9010] =	vst v0  }
.Ltmp0:
0x11: {  	[tilespmem:s17+$0x9020] =	vst v0;
	(pc) =	sbr.rel @p0 .LBB2_2-.Ltmp0, $4  }
0x12: {  	[tilespmem:s17+$0x9030] =	vst v0  }
0x13: {  	[tilespmem:s17+$0x9040] =	vst v0  }
0x14: {  	[tilespmem:s17+$0x9050] =	vst v0  }
0x15: {  	[tilespmem:s17+$0x9060] =	vst v0;
	s17 =	sshra.s32 s18, $0x2;
	s18 =	sadd.s32 $0x200, s18  }
0x16: {  	[tilespmem:s17+$0x9070] =	vst v0  }
0x17: {  	[tilespmem:s17+$0x9000] =	vst v0  }
0x18: {  	[tilespmem:s17+$0x9010] =	vst v0  }
0x19: {  	[tilespmem:s17+$0x9020] =	vst v0  }
0x1a: {  	[tilespmem:s17+$0x9030] =	vst v0  }
0x1b: {  	[tilespmem:s17+$0x9040] =	vst v0  }
0x1c: {  	[tilespmem:s17+$0x9050] =	vst v0  }
0x1d: {  	[tilespmem:s17+$0x9060] =	vst v0  }
0x1e: {  	[spmem:s5] =	stream.linear.scatter [tilespmem:s10], [sflag:$0x2], $0x4000, $0x38;
	[tilespmem:$0x11000] =	vst v63  }
0x1f: {  	_ =	swait.ge [sflag:s11], $0x4000  }
0x20: {  	[sflag:s11] =	ssyncset.done $0x0  }
0x21: {  	[sflag:s11] =	ssyncadd.s32 $0xFFFFC000  }
0x22: {  	s29 =	simm.s32 $0x0;
	[bflag:$0x0] =	sbarrier.arrive $0xFFFF  }
0x23: {  	[tilespmem:s29], [sflag:$0x2] =	stream.linear.gather [hbm4b:s6+s29], $0x2800, $0x38;
	[tilespmem:$0x11000] =	vst v63  }
0x24: {  	_ =	swait.ge [sflag:s11], $0x2800  }
0x25: {  	[sflag:s11] =	ssyncset.done $0x0  }
0x26: {  	[sflag:s11] =	ssyncadd.s32 $0xFFFFD800  }
0x27: {  	[tilespmem:s12], [sflag:$0x2] =	stream.linear.gather [hbm4b:s7+s29], $0x2800, $0x38;
	[tilespmem:$0x11000] =	vst v63  }
0x28: {  	_ =	swait.ge [sflag:s11], $0x2800  }
0x29: {  	[sflag:s11] =	ssyncset.done $0x0  }
0x2a: {  	s30 =	simm.s32 $0x0;
	[sflag:s11] =	ssyncadd.s32 $0xFFFFD800  }
0x2b: {  	[tilespmem:s14], [sflag:$0x1] =	stream.indirect.gather [hbm4b:s4+s13], $0x80, s30, s13, $0xb8;
	[tilespmem:$0x11000] =	vst v63  }
0x2c: {  	_ =	swait.ge [sflag:s15], $0x4000  }
0x2d: {  	[sflag:s15] =	ssyncset.done $0x0  }
0x2e: {  	s31 =	simm.s32 $0x2800;
	[sflag:s15] =	ssyncadd.s32 $0xFFFFC000  }
0x2f: {  	[spmem:s2] =	stream.indirect.scatter.add.f32 [tilespmem:s14], [sflag:$0x2], $0x80, s31, s13, $0xb8;
	[tilespmem:$0x11000] =	vst v63  }
0x30: {  	_ =	swait.ge [sflag:s11], $0x4000  }
0x31: {  	s17 =	simm.s32 $0x200;
	s18 =	simm.s32 $0x400;
	[sflag:s11] =	ssyncset.done $0x0  }
.LBB2_4:
0x32: {  	s19 =	sshra.s32 s17, $0x2  }
0x33: {  	[sflag:s11] =	ssyncadd.s32 $0xFFFFC000;
	s17 =	smov.u32 s18;
	s20 =	sadd.s32 $0x200, s18  }
0x34: {  	[tilespmem:s14], [sflag:$0x1] =	stream.indirect.gather [hbm4b:s4+s13], $0x80, s19, s13, $0xb8;
	[tilespmem:$0x11000] =	vst v63  }
0x35: {  	p0 =	sne.s32 s18, $0x9E00;
	_ =	swait.ge [sflag:s15], $0x4000  }
.Ltmp1:
0x36: {  	[sflag:s15] =	ssyncset.done $0x0;
	(pc) =	sbr.rel @p0 .LBB2_4-.Ltmp1, $4  }
0x37: {  	s18 =	sadd.s32 $0x2800, s19;
	[sflag:s15] =	ssyncadd.s32 $0xFFFFC000  }
0x38: {  	[spmem:s2] =	stream.indirect.scatter.add.f32 [tilespmem:s14], [sflag:$0x2], $0x80, s18, s13, $0xb8;
	[tilespmem:$0x11000] =	vst v63  }
0x39: {  	_ =	swait.ge [sflag:s11], $0x4000  }
0x3a: {  	s18 =	smov.u32 s20;
	[sflag:s11] =	ssyncset.done $0x0  }
0x3b: {  	s17 =	sshra.s32 s17, $0x2;
	[sflag:s11] =	ssyncadd.s32 $0xFFFFC000  }
0x3c: {  	[tilespmem:s14], [sflag:$0x1] =	stream.indirect.gather [hbm4b:s4+s13], $0x80, s17, s13, $0xb8;
	[tilespmem:$0x11000] =	vst v63  }
0x3d: {  	_ =	swait.ge [sflag:s15], $0x4000  }
0x3e: {  	[sflag:s15] =	ssyncset.done $0x0  }
0x3f: {  	s17 =	sadd.s32 $0x2800, s17;
	[sflag:s15] =	ssyncadd.s32 $0xFFFFC000  }
0x40: {  	[spmem:s2] =	stream.indirect.scatter.add.f32 [tilespmem:s14], [sflag:$0x2], $0x80, s17, s13, $0xb8;
	[tilespmem:$0x11000] =	vst v63  }
0x41: {  	_ =	swait.ge [sflag:s11], $0x4000  }
0x42: {  	[sflag:s11] =	ssyncset.done $0x0  }
0x43: {  	[sflag:s11] =	ssyncadd.s32 $0xFFFFC000  }
0x44: {  	[bflag:$0x0] =	sbarrier.arrive $0xFFFF  }
0x45: {  	[tilespmem:s14], [sflag:$0x2] =	stream.linear.gather [spmem:s5], $0x4000, $0x38;
	[tilespmem:$0x11000] =	vst v63  }
0x46: {  	s16 =	sadd.s32 $0x1, s16;
	_ =	swait.ge [sflag:s11], $0x4000  }
0x47: {  	p0 =	sne.s32 s16, s9;
	[sflag:s11] =	ssyncset.done $0x0  }
.Ltmp2:
0x48: {  	[sflag:s11] =	ssyncadd.s32 $0xFFFFC000;
	(pc) =	sbr.rel @p0 .LBB2_1-.Ltmp2, $4  }
0x49: {  	[hbm4b:s8+s3] =	stream.linear.scatter [tilespmem:s14], [sflag:$0x2], $0x4000, $0x38;
	[tilespmem:$0x11000] =	vst v63  }
0x4a: {  	_ =	swait.ge [sflag:s11], $0x4000  }
0x4b: {  	[sflag:s11] =	ssyncset.done $0x0  }
0x4c: {  	[sflag:s11] =	ssyncadd.s32 $0xFFFFC000  }
0x4d: {  	_ =	sfence.sel $0x180000  }
0x4e: {  	[bflag:$0x0] =	sbarrier.arrive $0xFFFF  }
0x4f: {  	p0 =	sne.s32 s0, $0x0;
	_ =	strace $0x90000047  }
0x50: {  	s0 =	sadd.s32 @!p0 $0x100000, s1;
	[bflag:$0x2] =	sbarrier.arrive $0xFFFF  }
0x51: {  	[sflag:s0] =	ssyncadd.tile.s32 @!p0 $0x1;
	_ =	shalt  }
.Lfunc_end2:
_tile_overlayer_lowered:
.L_overlay_start_2:
0x52: {  	(tag) =	ssettag $0x2  }
0x53: {  	s0 =	rddreg [dreg:$0x0];
	s2 =	stileid.u32  }
0x54: {  	s1 =	rddreg [dreg:$0x1];
	p0 =	sne.s32 s2, $0x0  }
0x55: {  	s3 =	rddreg [dreg:$0x2];
	[bflag:$0x3] =	sbarrier.arrive $0xFFFF;
	s2 =	simm.s32 @!p0 $0x1C02  }
0x56: {  	[timem:s3], [sflag:s2] =	dma.local @!p0 [hbm:s0], s1  }
0x57: {  	s0 =	simm.s32 @!p0 $0x2  }
0x58: {  	_ =	swait.ge @!p0 [sflag:s0], s1  }
0x59: {  	s1 =	ssub.s32 @!p0 $0x0, s1;
	[sflag:s0] =	ssyncset.done @!p0 $0x0  }
0x5a: {  	[sflag:s0] =	ssyncadd.s32 @!p0 s1  }
0x5b: {  	[bflag:$0x3] =	sbarrier.arrive $0xFFFF  }
0x5c: {  	_ =	shalt  }

// kernel: scatter_offload_async_start.1
scs
__scs_entry_jumppad:
0x0: {  	(pc) =	sbr.rel $0x88, $3  }
0x1: {  	(tag) =	ssettag $0x0;
	lr =	simm.s32 $0x1  }
0x2: {  	[smem:$0x3F94] =	sst lr;
	_ =	strace $0xD0000000  }
0x3: {  	_ = 	snop  }
0x4: {  	_ = 	snop  }
0x5: {  	_ = 	snop  }
0x6: {  	_ = 	snop  }
0x7: {  	_ = 	snop  }
__scs_overlays_trampoline_lowered:
0x8: {  	[smem:$0x3FA3] =	sst s0  }
0x9: {  	[smem:$0x3FA4] =	sst s1  }
0xa: {  	[smem:$0x3FA5] =	sst s2  }
0xb: {  	[smem:$0x3FA6] =	sst s3  }
0xc: {  	[smem:$0x3FA7] =	sst s4  }
0xd: {  	[smem:$0x3FA8] =	sst s5  }
0xe: {  	[smem:$0x3FA9] =	sst s6  }
0xf: {  	[smem:$0x3FAA] =	sst s7  }
0x10: {  	[smem:$0x3FAB] =	sst s8  }
0x11: {  	[smem:$0x3FAC] =	sst s9;
	s0 =	simm.s32 @!p0 $0x0  }
0x12: {  	s1 =	sld [smem:$0x3F92];
	s0 =	simm.s32 @p0 $0x1  }
0x13: {  	[smem:$0x3FAD] =	sst s0;
	s0 =	simm.s32 @!p1 $0x0  }
0x14: {  	s2 =	sld [smem:$0x3F91];
	s0 =	simm.s32 @p1 $0x1  }
0x15: {  	[smem:$0x3FAE] =	sst s0;
	s0 =	simm.s32 @!p2 $0x0  }
0x16: {  	s3 =	sld [smem:$0x3FDB];
	s0 =	simm.s32 @p2 $0x1  }
0x17: {  	s4 =	simm.s32 $0x1BF5;
	[smem:$0x3FB0] =	sst s0  }
0x18: {  	s0 =	sld [smem:$0x3F93];
	_ =	swait.ge [sflag:s4], $0x0  }
0x19: {  	s7 =	sld [smem:$0x3F94]  }
0x1a: {  	s8 =	sadd.s32 $0xFFFFE003, lr  }
0x1b: {  	s9 =	sadd.s32 $0xFFFFFEF7, lr;
	s5 =	simm.s32 $0xFFFFFFFF;
	p2 =	slt.u32 s8, $0xFFFFF086  }
0x1c: {  	p1 =	slt.u32 s9, $0xF7A;
	s5 =	simm.s32 @!p2 $0x0  }
0x1d: {  	s5 =	simm.s32 @p1 $0x1;
	p0 =	seq.s32 s7, s2  }
0x1e: {  	s7 =	smul.u32 @!p0 $0xF7A, s2;
	p2 =	seq.s32 @!p0 s5, $0x0  }
0x1f: {  	s9 =	smul.u32 $0xF7A, s1;
	s8 =	simm.s32 @!p0 $0x1BF5;
	p2 =	por !p2, p0  }
0x20: {  	[sflag:s8] =	ssyncset.s32 @!p0 $0xFFFFF086;
	s6 =	sadd.s32 @!p0 s3, s7;
	s7 =	simm.s32 @!p0 $0x108  }
0x21: {  	s3 =	sadd.s32 s3, s9;
	s6 =	sadd.s32 @!p0 $0x88, s6;
	s7 =	simm.s32 @p2 $0x1082  }
0x22: {  	[simem:s7], [sflag:s8] =	dma.local @!p0 [hbm:s6], $0xF7A  }
0x23: {  	s9 =	sor.u32 $0xD0000000, s2;
	s6 =	simm.s32 $0x108;
	_ =	swait.ge @!p0 [sflag:s8], $0x0  }
0x24: {  	s3 =	sadd.s32 $0x88, s3;
	s6 =	simm.s32 @!p1 $0x1082;
	[sflag:s4] =	ssyncset.s32 $0xFFFFF086  }
0x25: {  	[simem:s6], [sflag:s4] =	dma.local [hbm:s3], $0xF7A  }
0x26: {  	[smem:$0x3F94] =	sst s1;
	(tag) =	ssettag s2;
	_ =	strace s9  }
0x27: {  	s1 =	sld [smem:$0x3FA4]  }
0x28: {  	s2 =	sld [smem:$0x3FA5]  }
0x29: {  	s4 =	sld [smem:$0x3FA7]  }
0x2a: {  	p0 =	seq.s32 s5, $0x0;
	s5 =	sld [smem:$0x3FA8]  }
0x2b: {  	s6 =	sld [smem:$0x3FA9]  }
0x2c: {  	s7 =	sld [smem:$0x3FAA]  }
0x2d: {  	s3 =	simm.s32 $0x108;
	s8 =	sld [smem:$0x3FAB]  }
0x2e: {  	s3 =	simm.s32 @!p0 $0x1082;
	s9 =	sld [smem:$0x3FAC]  }
0x2f: {  	lr =	sadd.s32 s0, s3;
	s0 =	sld [smem:$0x3FA3]  }
0x30: {  	s3 =	sld [smem:$0x3FA6]  }
0x31: {  	[smem:$0x3FAF] =	sst s10  }
0x32: {  	s10 =	sld [smem:$0x3FAD];
	_ =	sdelay $0x3  }
0x33: {  	p0 =	seq.s32 s10, $0x1;
	s10 =	sld [smem:$0x3FAF];
	_ =	sdelay $0x3  }
0x34: {  	[smem:$0x3FAF] =	sst s10  }
0x35: {  	s10 =	sld [smem:$0x3FAE];
	_ =	sdelay $0x3  }
0x36: {  	p1 =	seq.s32 s10, $0x1;
	s10 =	sld [smem:$0x3FAF];
	_ =	sdelay $0x3  }
0x37: {  	[smem:$0x3FAF] =	sst s10  }
0x38: {  	s10 =	sld [smem:$0x3FB0]  }
0x39: {  	_ = 	snop;
	(pc) =	sbr.ind lr, $3  }
0x3a: {  	_ = 	snop  }
0x3b: {  	_ = 	snop  }
0x3c: {  	p2 =	seq.s32 s10, $0x1;
	s10 =	sld [smem:$0x3FAF]  }
0x3d: {  	_ =	shalt  }
0x3e: {  	_ =	shalt  }
0x3f: {  	_ =	shalt  }
0x40: {  	_ =	shalt  }
0x41: {  	_ =	shalt  }
0x42: {  	_ =	shalt  }
0x43: {  	_ =	shalt  }
0x44: {  	_ =	shalt  }
0x45: {  	_ =	shalt  }
0x46: {  	_ =	shalt  }
0x47: {  	_ =	shalt  }
0x48: {  	_ =	shalt  }
0x49: {  	_ =	shalt  }
0x4a: {  	_ =	shalt  }
0x4b: {  	_ =	shalt  }
0x4c: {  	_ =	shalt  }
0x4d: {  	_ =	shalt  }
0x4e: {  	_ =	shalt  }
0x4f: {  	_ =	shalt  }
0x50: {  	_ =	shalt  }
0x51: {  	_ =	shalt  }
0x52: {  	_ =	shalt  }
0x53: {  	_ =	shalt  }
0x54: {  	_ =	shalt  }
0x55: {  	_ =	shalt  }
0x56: {  	_ =	shalt  }
0x57: {  	_ =	shalt  }
0x58: {  	_ =	shalt  }
0x59: {  	_ =	shalt  }
0x5a: {  	_ =	shalt  }
0x5b: {  	_ =	shalt  }
0x5c: {  	_ =	shalt  }
0x5d: {  	_ =	shalt  }
0x5e: {  	_ =	shalt  }
0x5f: {  	_ =	shalt  }
0x60: {  	_ =	shalt  }
0x61: {  	_ =	shalt  }
0x62: {  	_ =	shalt  }
0x63: {  	_ =	shalt  }
0x64: {  	_ =	shalt  }
0x65: {  	_ =	shalt  }
0x66: {  	_ =	shalt  }
0x67: {  	_ =	shalt  }
0x68: {  	_ =	shalt  }
0x69: {  	_ =	shalt  }
0x6a: {  	_ =	shalt  }
0x6b: {  	_ =	shalt  }
0x6c: {  	_ =	shalt  }
0x6d: {  	_ =	shalt  }
0x6e: {  	_ =	shalt  }
0x6f: {  	_ =	shalt  }
0x70: {  	_ =	shalt  }
0x71: {  	_ =	shalt  }
0x72: {  	_ =	shalt  }
0x73: {  	_ =	shalt  }
0x74: {  	_ =	shalt  }
0x75: {  	_ =	shalt  }
0x76: {  	_ =	shalt  }
0x77: {  	_ =	shalt  }
0x78: {  	_ =	shalt  }
0x79: {  	_ =	shalt  }
0x7a: {  	_ =	shalt  }
0x7b: {  	_ =	shalt  }
0x7c: {  	_ =	shalt  }
0x7d: {  	_ =	shalt  }
0x7e: {  	_ =	shalt  }
0x7f: {  	_ =	shalt  }
0x80: {  	_ =	shalt  }
0x81: {  	_ =	shalt  }
0x82: {  	_ =	shalt  }
0x83: {  	_ =	shalt  }
0x84: {  	_ =	shalt  }
0x85: {  	_ =	shalt  }
0x86: {  	_ =	shalt  }
0x87: {  	_ =	shalt  }
.Lfunc_end0:
.L_simem_size_0:
called_computation.1_lowered:
.L_overlay_start_0:
0x88: {  	s2 =	sld [smem:$0x3FD9]  }
0x89: {  	s3 =	sld [smem:$0x3FFE];
	_ =	sdelay $0x1  }
0x8a: {  	s1 =	srdreg.scid  }
0x8b: {  	s0 =	sand.u32 $0x1, s1  }
0x8c: {  	s17 =	sshll.u32 s0, $0xA;
	s2 =	sadd.s32 s3, s2  }
0x8d: {  	s2 =	sadd.s32 s2, s17  }
0x8e: {  	[smem:$0x3FBB] =	sst s2  }
0x8f: {  	_ = 	snop  }
0x90: {  	(tm) =	ssettm $0x1  }
0x91: {  	s18 =	sld [smem:$0x3FFB];
	_ =	sdelay $0x3  }
0x92: {  	_ =	strace s18  }
0x93: {  	s2 =	sld [smem:$0x3FFC];
	_ =	sdelay $0x3  }
0x94: {  	_ =	strace s2  }
0x95: {  	s2 =	sld [smem:$0x3FFD];
	_ =	sdelay $0x3  }
0x96: {  	_ =	strace s2  }
0x97: {  	_ =	strace $0x8FFFFFFF  }
0x98: {  	s19 =	sld [smem:$0x3FDB];
	_ =	sdelay $0x1  }
0x99: {  	s20 =	simm.s32 $_scs_section_size  }
0x9a: {  	s4 =	simm.s32 $_size__tile_overlayer_lowered;
	s5 =	simm.s32 $_tile_overlayer_lowered  }
0x9b: {  	s6 =	simm.s32 $0x1BFF;
	s21 =	sshll.u32 s5, $0x1;
	s3 =	sadd.s32 s20, s19  }
0x9c: {  	s22 =	simm.s32 $0x0;
	s4 =	sshll.u32 s4, $0x1;
	s5 =	sadd.s32 s21, s3  }
0x9d: {  	[timem:s22], [sflag:s6] =	dma.local [hbm:s5], s4  }
0x9e: {  	_ =	swait.ge [sflag:s6], s4  }
0x9f: {  	s4 =	ssub.s32 $0x0, s4;
	[sflag:s6] =	ssyncset.done $0x0  }
0xa0: {  	[sflag:s6] =	ssyncadd.s32 s4;
	_ =	sdelay $0x1  }
0xa1: {  	s23 =	simm.s32 $0x1B8B  }
0xa2: {  	_ =	swait.ge [sflag:s23], $0x1  }
0xa3: {  	[sflag:s23] =	ssyncset.done $0x0  }
0xa4: {  	[sflag:s23] =	ssyncadd.s32 $0xFFFFFFFF  }
0xa5: {  	s4 =	sld [smem:$0x0]  }
0xa6: {  	s5 =	sand.u32 $0xFFFFFFFE, s1  }
0xa7: {  	p0 =	sne.s32 s1, s5  }
0xa8: {  	s5 =	sshll.u32 @p0 s5, $0xE  }
0xa9: {  	s5 =	sadd.s32 @p0 $0x11B8D, s5;
	s6 =	sshll.u32 @p0 s4, $0x11  }
0xaa: {  	s5 =	sor.u32 @p0 s6, s5  }
0xab: {  	[sflag:s5] =	ssyncadd.remote.s32 @p0 $0x1;
	_ =	sdelay $0x1  }
0xac: {  	s5 =	simm.s32 @p0 $0x1B8D  }
0xad: {  	_ =	swait.eq @p0 [sflag:s5], $0x1  }
0xae: {  	[sflag:s5] =	ssyncadd.s32 @p0 $0xFFFFFFFF  }
0xaf: {  	s6 =	sshll.u32 @!p0 s1, $0xE  }
0xb0: {  	s6 =	sor.u32 @!p0 $0x4000, s6;
	s5 =	simm.s32 @!p0 $0x1B8D  }
0xb1: {  	s7 =	sshll.u32 @!p0 s4, $0x11;
	s6 =	sadd.s32 @!p0 $0x11B8D, s6;
	_ =	swait.eq @!p0 [sflag:s5], $0x1  }
0xb2: {  	[sflag:s5] =	ssyncadd.s32 @!p0 $0xFFFFFFFF;
	s5 =	sor.u32 @!p0 s7, s6  }
0xb3: {  	s25 =	simm.s32 $0x1B8E;
	s24 =	sld [smem:$0x3FFE];
	[sflag:s5] =	ssyncadd.remote.s32 @!p0 $0x1  }
0xb4: {  	s26 =	simm.s32 $execute0_lowered;
	[smem:$0x3FD2] =	sst s25  }
0xb5: {  	s6 =	sshll.u32 s26, $0x1;
	_ =	strace $0x8000004C;
	[dreg:$0x1] =	wrdreg $0xFFFFFFFF  }
0xb6: {  	s28 =	simm.s32 $_size_execute0_lowered;
	s3 =	sadd.s32 s3, s6;
	[dreg:$0x0] =	wrdreg $0x0  }
0xb7: {  	s6 =	sshll.u32 s28, $0x1;
	[dreg:$0x2] =	wrdreg s3  }
0xb8: {  	[dreg:$0x3] =	wrdreg s6  }
0xb9: {  	[dreg:$0x4] =	wrdreg $0xC0  }
0xba: {  	_ =	task [dreg:s22], $0x5FFFF  }
0xbb: {  	[dreg:$0x1] =	wrdreg $0xFFFFFFFF  }
0xbc: {  	[dreg:$0x0] =	wrdreg $0x60  }
0xbd: {  	[dreg:$0x2] =	wrdreg s24  }
0xbe: {  	[dreg:$0x3] =	wrdreg s1  }
0xbf: {  	[dreg:$0x4] =	wrdreg s4  }
0xc0: {  	[dreg:$0x5] =	wrdreg $0xA  }
0xc1: {  	_ =	task.clear_ibuf [dreg:s22], $0x6FFFF;
	_ =	strace $0x9000004C  }
0xc2: {  	s29 =	simm.s32 $0xA;
	_ =	strace $0x8000004E  }
0xc3: {  	_ =	swait.ge [sflag:s29], $0x1  }
0xc4: {  	[sflag:s29] =	ssyncadd.s32 $0xFFFFFFFF  }
0xc5: {  	_ =	strace $0x9000004E  }
0xc6: {  	_ =	sfence  }
0xc7: {  	s30 =	sld [smem:$0x0];
	_ =	sdelay $0x2  }
0xc8: {  	s31 =	sshll.u32 s1, $0xD;
	s1 =	sshrl.u32 s1, $0x2  }
0xc9: {  	s4 =	sand.u32 $0x4000, s31;
	s1 =	sadd.s32 s1, s30  }
0xca: {  	s0 =	sor.u32 s4, s0;
	s1 =	sshll.u32 s1, $0x11  }
0xcb: {  	s0 =	sor.u32 s1, s0  }
0xcc: {  	s0 =	sadd.s32 $0x8F2B, s0  }
0xcd: {  	[sflag:s0] =	ssyncadd.remote.s32 $0x1  }
0xce: {  	_ =	sfence.sel $0xFFFF  }
0xcf: {  	[dreg:$0x0] =	wrdreg $0xFFFFFFFF;
	(pc) =	sbr.abs _section_cstart, $3  }
0xd0: {  	[dreg:$0x1] =	wrdreg $0xFFFFFFFF  }
0xd1: {  	_ =	task.clear_ibuf [dreg:s22], $0x2FFFF;
	_ =	strace $0x9FFFFFFF  }
0xd2: {  	(tm) =	ssettm $0x7FFFFFFF  }
0xd3: {  	_ =	shalt  }
tec
execute0_lowered:
.L_overlay_start_1:
0x0: {  	(tag) =	ssettag $0x1  }
0x1: {  	s2 =	rddreg [dreg:$0x0]  }
0x2: {  	s4 =	rddreg [dreg:$0x1];
	_ =	strace $0x8000004D;
	s0 =	simm.s32 $0x1  }
0x3: {  	s3 =	simm.s32 $0x88;
	v0 =	vimm.s32 $0x0;
	[sflag:s0] =	ssyncpa.u1 $0x0  }
0x4: {  	[tilespmem:s3+$0x30] =	vst v0  }
0x5: {  	s1 =	sadd.s32 $0x7F200, s2;
	s0 =	sadd.s32 $0x2200, s2;
	s6 =	sadd.s32 $0xA89200, s2;
	[tilespmem:s3+$0x20] =	vst v0  }
0x6: {  	s2 =	sadd.s32 $0x57F200, s2;
	s5 =	sand.u32 $0x1, s4;
	s4 =	simm.s32 $0x40;
	[tilespmem:s3+$0x10] =	vst v0  }
.LBB2_1:
0x7: {  	s4 =	sadd.s32 $0x40, s4  }
0x8: {  	[tilespmem:s3+$0x0] =	vst v0;
	s3 =	sadd.s32 $0x40, s3;
	p0 =	slt.u32 s4, $0x5040  }
.Ltmp0:
0x9: {  	(pc) =	sbr.rel @p0 .LBB2_1-.Ltmp0, $4  }
0xa: {  	_ = 	snop  }
0xb: {  	[tilespmem:s3+$0x30] =	vst v0  }
0xc: {  	[tilespmem:s3+$0x20] =	vst v0  }
0xd: {  	[tilespmem:s3+$0x10] =	vst v0  }
0xe: {  	s28 =	simm.s32 $0x2  }
0xf: {  	s4 =	stileid.u32;
	s29 =	simm.s32 $0x9;
	s30 =	simm.s32 $0xA  }
0x10: {  	s7 =	simm.s32 $0xB;
	[dreg:$0x4] =	wrdreg s5;
	s31 =	smul.u32 $0x5000, s5  }
0x11: {  	s16 =	simm.s32 $0x0;
	p0 =	por $0x1, $0x1;
	s17 =	simm.s32 $0xFF  }
0x12: {  	p1 =	por $0x0, $0x0;
	s18 =	simm.s32 $0x1;
	s12 =	simm.s32 $0xC  }
0x13: {  	s23 =	simm.s32 $0x0;
	s21 =	simm.s32 $0x0;
	s9 =	smul.u32 $0x2800, s4  }
.Ltmp1:
0x14: {  	s20 =	simm.s32 $0x0;
	s0 =	sadd.s32 s31, s0;
	(pc) =	sbr.rel .LBB2_3-.Ltmp1, $4  }
0x15: {  	[tilespmem:s3+$0x0] =	vst v0;
	v0 =	vimm.s32 $0xFFFFFFFF;
	[sflag:s28] =	ssyncpa.u1 $0x0;
	s15 =	sshll.u32 s4, $0x7;
	[dreg:$0x8] =	wrdreg s0  }
0x16: {  	[tilespmem:$0xA108] =	vst v0;
	[sflag:s29] =	ssyncpa.u1 $0x0;
	s11 =	sadd.s32 s31, s2;
	[dreg:$0x5] =	wrdreg s9  }
0x17: {  	[sflag:s30] =	ssyncpa.u1 $0x0;
	s10 =	sadd.s32 $0x2800, s9;
	[dreg:$0x7] =	wrdreg s11  }
0x18: {  	v0 =	vlaneseq.u32;
	s22 =	smov.u32 s9;
	[sflag:s7] =	ssyncpa.u1 $0x0;
	[dreg:$0x6] =	wrdreg s10  }
.LBB2_22:
0x19: {  	s2 =	sshrl.u32 s4, $0x2  }
.LBB2_24:
0x1a: {  	_ =	swait.ge [sflag:s12], s2  }
0x1b: {  	s31 =	ssub.s32 $0x0, s2;
	v1 =	vmov s26;
	vm0 =	veq.s32 v0, $0x0;
	[sflag:s12] =	ssyncset.done $0x0  }
0x1c: {  	vm15 =	veq.s32 v0, $0x2;
	v1 =	vsel vm0, s0, v1;
	[sflag:s12] =	ssyncadd.s32 s31  }
0x1d: {  	v1 =	vsel vm15, s23, v1;
	[sflag:s12] =	ssyncpa.u1 $0x1  }
0x1e: {  	[tilespmem:$0xA108] =	vst v1  }
.LBB2_25:
0x1f: {  	s0 =	sadd.s32 $0x140, s22  }
0x20: {  	s2 =	smov.u32 s9;
	s20 =	sadd.s32 $0x1, s20;
	p2 =	slt.s32 s0, s10  }
0x21: {  	s2 =	smov.u32 @p2 s0;
	p2 =	sne.s32 s20, $0x22  }
.Ltmp2:
0x22: {  	_ = 	snop;
	(pc) =	sbr.rel @!p2 .LBB2_26-.Ltmp2, $3  }
0x23: {  	_ =	sdelay $0x1  }
0x24: {  	s23 =	smov.u32 s21;
	s21 =	smov.u32 s22;
	p0 =	por !p0, !p0  }
0x25: {  	s17 =	sadd.s32 $0x1, s17;
	p1 =	por !p1, !p1;
	s22 =	smov.u32 s2  }
.LBB2_3:
0x26: {  	p2 =	sgt.u32 s20, $0x1F  }
0x27: {  	s0 =	smul.u32 @!p2 $0xAB, s20;
	_ =	sdelay $0x1  }
0x28: {  	s0 =	sshrl.u32 @!p2 s0, $0x9  }
0x29: {  	s2 =	smov.u32 s22;
	p3 =	sgt.s32 @!p2 s22, $0x27EC0;
	s0 =	sand.u32 @!p2 $0x7F, s0  }
0x2a: {  	s3 =	sshra.s32 @!p2 s22, $0x1F;
	p3 =	por !p3, p2;
	s0 =	smul.u32 @!p2 $0x3, s0  }
0x2b: {  	s3 =	sand.u32 @!p2 s3, s22;
	s2 =	simm.s32 @p3 $0x27EC0  }
0x2c: {  	s2 =	ssub.s32 @!p2 s2, s3;
	s0 =	ssub.s32 @!p2 s20, s0  }
0x2d: {  	s2 =	sadd.s32 @!p2 $0xFFFD8140, s2;
	s0 =	sand.u32 @!p2 $0xFF, s0  }
0x2e: {  	s3 =	sshll.u32 @!p2 s2, $0x2;
	p3 =	sgt.s32 @!p2 s2, $0x13F;
	s0 =	smul.u32 @!p2 $0x500, s0  }
0x2f: {  	s4 =	sand.u32 @!p2 $0x7, s22;
	s2 =	ssub.s32 @!p2 $0x500, s3;
	p3 =	por !p3, p2  }
0x30: {  	s3 =	sshrl.u32 @!p2 s22, $0x3;
	s2 =	sshrl.u32 @!p2 s2, $0x2;
	s0 =	sshrl.u32 @!p2 s0, $0x2  }
0x31: {  	s3 =	sadd.s32 @!p2 s3, s11;
	s2 =	simm.s32 @!p3 $0x0;
	s0 =	sadd.s32 @!p2 $0xA948, s0  }
0x32: {  	[tilespmem:s0], [sflag:$0xA] =	stream.linear.gather @!p2 [hbm4b:s3+s4], s2, $0x38;
	[tilespmem:$0x1EF88] =	vst v63  }
0x33: {  	s0 =	sadd.s32 $0xFFFFFFFF, s20  }
0x34: {  	p2 =	sgt.u32 s0, $0x1F  }
.Ltmp3:
0x35: {  	_ = 	snop;
	(pc) =	sbr.rel @p2 .LBB2_7-.Ltmp3, $1  }
0x36: {  	_ =	sdelay $0x3  }
0x37: {  	p2 =	sgt.s32 s21, $0x27EC0;
	s2 =	smov.u32 s21;
	s3 =	sshra.s32 s21, $0x1F  }
0x38: {  	s4 =	sand.u32 $0xFF, s17;
	s2 =	simm.s32 @!p2 $0x27EC0;
	s3 =	sand.u32 s3, s21  }
0x39: {  	s31 =	smulhi.u32 $0x55555556, s4;
	s2 =	ssub.s32 s2, s3  }
0x3a: {  	s0 =	sand.u32 $0x1, s0;
	s4 =	smul.u32 $0x500, s4;
	s2 =	sadd.s32 $0xFFFD8140, s2  }
0x3b: {  	s7 =	simm.s32 $0xA;
	s0 =	smul.u32 $0x500, s0;
	s5 =	sshll.u32 s2, $0x2  }
0x3c: {  	s9 =	sshrl.u32 s21, $0x3;
	s3 =	smul.u32 $0xF00, s31;
	s5 =	ssub.s32 $0x500, s5  }
0x3d: {  	s11 =	sand.u32 $0x7, s21;
	p2 =	sgt.s32 s2, $0x13F;
	s2 =	sshrl.u32 s5, $0x2  }
0x3e: {  	s0 =	sshrl.u32 s0, $0x2;
	s3 =	ssub.s32 s4, s3;
	s2 =	simm.s32 @p2 $0x0  }
0x3f: {  	s0 =	sadd.s32 $0xAD08, s0;
	s3 =	sshra.s32 s3, $0x2;
	_ =	swait.ge [sflag:s7], s2  }
0x40: {  	s8 =	ssub.s32 $0x0, s2;
	[sflag:s7] =	ssyncset.done $0x0;
	s10 =	rddreg [dreg:$0x8]  }
0x41: {  	s28 =	sadd.s32 $0xA948, s3;
	[sflag:s7] =	ssyncadd.s32 s8;
	s3 =	sadd.s32 s9, s10  }
0x42: {  	[tilespmem:s0], [sflag:$0xB] =	stream.linear.gather [hbm4b:s3+s11], s2, $0x38;
	[tilespmem:$0x1EF88] =	vst v63  }
0x43: {  	v1 =	vld.msk [tilespmem:s28+$0x0], $0xffff;
	_ =	sdelay $0x4  }
0x44: {  	v1 =	vshll.u32 v1, $0x4  }
0x45: {  	(v2sf) =	vpush v1, $0x0  }
0x46: {  	(v2sf) =	vpush v1, $0x1  }
0x47: {  	(v2sf) =	vpush v1, $0x2;
	_ =	sdelay $0x1  }
0x48: {  	(v2sf) =	vpush v1, $0x3;
	_ =	sdelay $0x1  }
0x49: {  	s0 =	simm.s32 $0x1;
	(v2sf) =	vpush v1, $0x4  }
0x4a: {  	s0 =	simm.s32 @!p0 $0x0  }
0x4b: {  	s0 =	smul.u32 $0x28000, s0;
	(v2sf) =	vpush v1, $0x5;
	_ =	sdelay $0x1  }
0x4c: {  	s0 =	sshrl.u32 s0, $0x2;
	(v2sf) =	vpush v1, $0x6  }
0x4d: {  	s24 =	sadd.s32 $0xB708, s0  }
0x4e: {  	s28 =	sadd.s32 $0x10, s28;
	s0 =	sadd.s32 $0xFFFFFE80, s24;
	s2 =	sadd.s32 $0xFFFFFD00, s24;
	(v2sf) =	vpush v1, $0x7  }
0x4f: {  	s4 =	sadd.s32 $0xFFFFFD80, s24;
	s3 =	sadd.s32 $0xFFFFFE00, s24;
	s5 =	sadd.s32 $0xFFFFFB80, s24  }
0x50: {  	s26 =	sadd.s32 $0xFFFFFA00, s24;
	s29 =	sadd.s32 $0xFFFFFA80, s24;
	s30 =	sadd.s32 $0xFFFFFB00, s24;
	(v2sf) =	vpush v1, $0x8  }
0x51: {  	s31 =	sadd.s32 $0xFFFFF900, s24;
	s7 =	sadd.s32 $0xFFFFF980, s24;
	s8 =	spop (v2sf)  }
0x52: {  	s10 =	sadd.s32 $0xFFFFF880, s24;
	(v2sf) =	vpush v1, $0x9;
	s8 =	sand.u32 $0x1FFFFFF0, s8;
	s11 =	spop (v2sf)  }
0x53: {  	s8 =	sadd.s32 s6, s8;
	s11 =	sand.u32 $0x1FFFFFF0, s11;
	s13 =	spop (v2sf)  }
0x54: {  	[tilespmem:s10], [sflag:$0x9] =	stream.linear.gather [hbm4b:s8+s16], $0x40, $0x38;
	[tilespmem:$0x1EF88] =	vst v63  }
0x55: {  	(v2sf) =	vpush v1, $0xA;
	s12 =	sadd.s32 s6, s11;
	s19 =	sand.u32 $0x1FFFFFF0, s13;
	s9 =	spop (v2sf)  }
0x56: {  	(v2sf) =	vpush v1, $0xB;
	[tilespmem:s31], [sflag:$0x9] =	stream.linear.gather [hbm4b:s12+s16], $0x40, $0x38;
	[tilespmem:$0x1EF88] =	vst v63  }
0x57: {  	s10 =	sadd.s32 s6, s19;
	s13 =	spop (v2sf);
	s12 =	sand.u32 $0x1FFFFFF0, s9  }
0x58: {  	(v2sf) =	vpush v1, $0xC;
	[tilespmem:s7], [sflag:$0x9] =	stream.linear.gather [hbm4b:s10+s16], $0x40, $0x38;
	[tilespmem:$0x1EF88] =	vst v63  }
0x59: {  	s31 =	sand.u32 $0x1FFFFFF0, s13;
	s9 =	spop (v2sf);
	s19 =	sadd.s32 s6, s12  }
0x5a: {  	(v2sf) =	vpush v1, $0xD;
	[tilespmem:s26], [sflag:$0x9] =	stream.linear.gather [hbm4b:s19+s16], $0x40, $0x38;
	[tilespmem:$0x1EF88] =	vst v63  }
0x5b: {  	s11 =	sadd.s32 s6, s31;
	s12 =	sand.u32 $0x1FFFFFF0, s9;
	s13 =	spop (v2sf)  }
0x5c: {  	(v2sf) =	vpush v1, $0xE;
	[tilespmem:s29], [sflag:$0x9] =	stream.linear.gather [hbm4b:s11+s16], $0x40, $0x38;
	[tilespmem:$0x1EF88] =	vst v63  }
0x5d: {  	s19 =	sadd.s32 s6, s12;
	s26 =	sand.u32 $0x1FFFFFF0, s13;
	s29 =	spop (v2sf)  }
0x5e: {  	(v2sf) =	vpush v1, $0xF;
	[tilespmem:s30], [sflag:$0x9] =	stream.linear.gather [hbm4b:s19+s16], $0x40, $0x38;
	[tilespmem:$0x1EF88] =	vst v63  }
0x5f: {  	s14 =	sadd.s32 $0xFFFFFC00, s24;
	s9 =	spop (v2sf);
	s30 =	sadd.s32 s6, s26  }
0x60: {  	[tilespmem:s5], [sflag:$0x9] =	stream.linear.gather [hbm4b:s30+s16], $0x40, $0x38;
	[tilespmem:$0x1EF88] =	vst v63  }
0x61: {  	s25 =	sadd.s32 $0xFFFFFC80, s24;
	s31 =	sand.u32 $0x1FFFFFF0, s29;
	s13 =	spop (v2sf)  }
0x62: {  	s11 =	sadd.s32 s6, s31;
	s12 =	sand.u32 $0x1FFFFFF0, s9;
	s19 =	sand.u32 $0x1FFFFFF0, s13  }
0x63: {  	[tilespmem:s14], [sflag:$0x9] =	stream.linear.gather [hbm4b:s11+s16], $0x40, $0x38;
	[tilespmem:$0x1EF88] =	vst v63  }
0x64: {  	s26 =	spop (v2sf);
	s14 =	sadd.s32 s6, s12;
	s29 =	sadd.s32 s6, s19  }
0x65: {  	s30 =	sand.u32 $0x1FFFFFF0, s26;
	s31 =	spop (v2sf);
	s19 =	sadd.s32 $0xFFFFFF00, s24  }
0x66: {  	[tilespmem:s25], [sflag:$0x9] =	stream.linear.gather [hbm4b:s14+s16], $0x40, $0x38;
	[tilespmem:$0x1EF88] =	vst v63  }
0x67: {  	s5 =	sadd.s32 s6, s30;
	s7 =	sand.u32 $0x1FFFFFF0, s31;
	s8 =	spop (v2sf)  }
0x68: {  	[tilespmem:s2], [sflag:$0x9] =	stream.linear.gather [hbm4b:s29+s16], $0x40, $0x38;
	[tilespmem:$0x1EF88] =	vst v63  }
0x69: {  	s31 =	sadd.s32 $0xFFFFFF80, s24;
	s10 =	sand.u32 $0x1FFFFFF0, s8;
	s11 =	spop (v2sf)  }
0x6a: {  	[tilespmem:s4], [sflag:$0x9] =	stream.linear.gather [hbm4b:s5+s16], $0x40, $0x38;
	[tilespmem:$0x1EF88] =	vst v63  }
0x6b: {  	s9 =	sadd.s32 s6, s7;
	s12 =	sadd.s32 s6, s10;
	s14 =	spop (v2sf)  }
0x6c: {  	[tilespmem:s3], [sflag:$0x9] =	stream.linear.gather [hbm4b:s9+s16], $0x40, $0x38;
	[tilespmem:$0x1EF88] =	vst v63  }
0x6d: {  	s13 =	sand.u32 $0x1FFFFFF0, s11;
	s26 =	sand.u32 $0x1FFFFFF0, s14;
	s29 =	spop (v2sf)  }
0x6e: {  	[tilespmem:s0], [sflag:$0x9] =	stream.linear.gather [hbm4b:s12+s16], $0x40, $0x38;
	[tilespmem:$0x1EF88] =	vst v63  }
0x6f: {  	s25 =	sadd.s32 s6, s13;
	s30 =	sadd.s32 s6, s26;
	s0 =	sand.u32 $0x1FFFFFF0, s29  }
0x70: {  	[tilespmem:s19], [sflag:$0x9] =	stream.linear.gather [hbm4b:s25+s16], $0x40, $0x38;
	[tilespmem:$0x1EF88] =	vst v63  }
0x71: {  	s26 =	sadd.s32 $0x800, s24;
	s0 =	sadd.s32 s6, s0;
	s25 =	simm.s32 $0x0  }
0x72: {  	[tilespmem:s31], [sflag:$0x9] =	stream.linear.gather [hbm4b:s30+s16], $0x40, $0x38;
	[tilespmem:$0x1EF88] =	vst v63  }
.LBB2_5:
0x73: {  	[tilespmem:s24], [sflag:$0x9] =	stream.linear.gather [hbm4b:s0+s16], $0x40, $0x38;
	[tilespmem:$0x1EF88] =	vst v63  }
0x74: {  	s25 =	sadd.s32 $0x10, s25;
	s24 =	smov.u32 s26  }
0x75: {  	p2 =	slt.u32 s25, $0x130;
	v1 =	vld.msk [tilespmem:s28+$0x0], $0xffff;
	_ =	sdelay $0x4  }
0x76: {  	v1 =	vshll.u32 v1, $0x4  }
0x77: {  	(v2sf) =	vpush v1, $0x0  }
0x78: {  	(v2sf) =	vpush v1, $0x1  }
0x79: {  	(v2sf) =	vpush v1, $0x2;
	_ =	sdelay $0x1  }
0x7a: {  	(v2sf) =	vpush v1, $0x3;
	_ =	sdelay $0x1  }
0x7b: {  	(v2sf) =	vpush v1, $0x4;
	_ =	sdelay $0x1  }
0x7c: {  	(v2sf) =	vpush v1, $0x5;
	_ =	sdelay $0x1  }
0x7d: {  	(v2sf) =	vpush v1, $0x6  }
0x7e: {  	s30 =	sadd.s32 $0xFFFFFE80, s26;
	s29 =	sadd.s32 $0xFFFFFF00, s26  }
0x7f: {  	s4 =	sadd.s32 $0xFFFFFD00, s26;
	s0 =	sadd.s32 $0xFFFFFD80, s26;
	s31 =	sadd.s32 $0xFFFFFE00, s26;
	(v2sf) =	vpush v1, $0x7  }
0x80: {  	s2 =	sadd.s32 $0xFFFFFB80, s26;
	s3 =	sadd.s32 $0xFFFFFC00, s26;
	s5 =	sadd.s32 $0xFFFFFC80, s26  }
0x81: {  	s7 =	sadd.s32 $0xFFFFFA00, s26;
	s8 =	sadd.s32 $0xFFFFFA80, s26;
	s10 =	sadd.s32 $0xFFFFFB00, s26;
	(v2sf) =	vpush v1, $0x8  }
0x82: {  	s11 =	sadd.s32 $0xFFFFF900, s26;
	s13 =	sadd.s32 $0xFFFFF980, s26;
	s14 =	spop (v2sf)  }
0x83: {  	s9 =	sadd.s32 $0xFFFFF880, s26;
	s14 =	sand.u32 $0x1FFFFFF0, s14;
	s19 =	spop (v2sf);
	(v2sf) =	vpush v1, $0x9  }
0x84: {  	s14 =	sadd.s32 s6, s14;
	s19 =	sand.u32 $0x1FFFFFF0, s19;
	s12 =	spop (v2sf)  }
0x85: {  	[tilespmem:s9], [sflag:$0x9] =	stream.linear.gather [hbm4b:s14+s16], $0x40, $0x38;
	(v2sf) =	vpush v1, $0xA;
	[tilespmem:$0x1EF88] =	vst v63  }
0x86: {  	s9 =	sadd.s32 s6, s19;
	s12 =	sand.u32 $0x1FFFFFF0, s12;
	s14 =	spop (v2sf)  }
0x87: {  	[tilespmem:s11], [sflag:$0x9] =	stream.linear.gather [hbm4b:s9+s16], $0x40, $0x38;
	(v2sf) =	vpush v1, $0xB;
	[tilespmem:$0x1EF88] =	vst v63  }
0x88: {  	s9 =	sadd.s32 s6, s12;
	s11 =	sand.u32 $0x1FFFFFF0, s14;
	s12 =	spop (v2sf)  }
0x89: {  	[tilespmem:s13], [sflag:$0x9] =	stream.linear.gather [hbm4b:s9+s16], $0x40, $0x38;
	(v2sf) =	vpush v1, $0xC;
	[tilespmem:$0x1EF88] =	vst v63  }
0x8a: {  	s9 =	sadd.s32 s6, s11;
	s11 =	sand.u32 $0x1FFFFFF0, s12;
	s12 =	spop (v2sf)  }
0x8b: {  	[tilespmem:s7], [sflag:$0x9] =	stream.linear.gather [hbm4b:s9+s16], $0x40, $0x38;
	(v2sf) =	vpush v1, $0xD;
	[tilespmem:$0x1EF88] =	vst v63  }
0x8c: {  	s7 =	sadd.s32 s6, s11;
	s9 =	sand.u32 $0x1FFFFFF0, s12;
	s11 =	spop (v2sf)  }
0x8d: {  	[tilespmem:s8], [sflag:$0x9] =	stream.linear.gather [hbm4b:s7+s16], $0x40, $0x38;
	(v2sf) =	vpush v1, $0xE;
	[tilespmem:$0x1EF88] =	vst v63  }
0x8e: {  	s7 =	sadd.s32 s6, s9;
	s8 =	sand.u32 $0x1FFFFFF0, s11;
	s9 =	spop (v2sf)  }
0x8f: {  	[tilespmem:s10], [sflag:$0x9] =	stream.linear.gather [hbm4b:s7+s16], $0x40, $0x38;
	(v2sf) =	vpush v1, $0xF;
	[tilespmem:$0x1EF88] =	vst v63  }
0x90: {  	s7 =	sadd.s32 s6, s8;
	s8 =	sand.u32 $0x1FFFFFF0, s9;
	s9 =	spop (v2sf)  }
0x91: {  	[tilespmem:s2], [sflag:$0x9] =	stream.linear.gather [hbm4b:s7+s16], $0x40, $0x38;
	[tilespmem:$0x1EF88] =	vst v63  }
0x92: {  	s2 =	sadd.s32 s6, s8;
	s7 =	sand.u32 $0x1FFFFFF0, s9;
	s8 =	spop (v2sf)  }
0x93: {  	[tilespmem:s3], [sflag:$0x9] =	stream.linear.gather [hbm4b:s2+s16], $0x40, $0x38;
	[tilespmem:$0x1EF88] =	vst v63  }
0x94: {  	s2 =	sadd.s32 s6, s7;
	s3 =	sand.u32 $0x1FFFFFF0, s8;
	s7 =	spop (v2sf)  }
0x95: {  	[tilespmem:s5], [sflag:$0x9] =	stream.linear.gather [hbm4b:s2+s16], $0x40, $0x38;
	[tilespmem:$0x1EF88] =	vst v63  }
0x96: {  	s2 =	sadd.s32 s6, s3;
	s3 =	sand.u32 $0x1FFFFFF0, s7;
	s5 =	spop (v2sf)  }
0x97: {  	[tilespmem:s4], [sflag:$0x9] =	stream.linear.gather [hbm4b:s2+s16], $0x40, $0x38;
	[tilespmem:$0x1EF88] =	vst v63  }
0x98: {  	s2 =	sadd.s32 s6, s3;
	s3 =	sand.u32 $0x1FFFFFF0, s5;
	s4 =	spop (v2sf)  }
0x99: {  	[tilespmem:s0], [sflag:$0x9] =	stream.linear.gather [hbm4b:s2+s16], $0x40, $0x38;
	[tilespmem:$0x1EF88] =	vst v63  }
0x9a: {  	s0 =	sadd.s32 s6, s3;
	s2 =	sand.u32 $0x1FFFFFF0, s4;
	s3 =	spop (v2sf)  }
0x9b: {  	[tilespmem:s31], [sflag:$0x9] =	stream.linear.gather [hbm4b:s0+s16], $0x40, $0x38;
	[tilespmem:$0x1EF88] =	vst v63  }
0x9c: {  	s0 =	sadd.s32 s6, s2;
	s2 =	sand.u32 $0x1FFFFFF0, s3;
	s3 =	spop (v2sf)  }
0x9d: {  	[tilespmem:s30], [sflag:$0x9] =	stream.linear.gather [hbm4b:s0+s16], $0x40, $0x38;
	[tilespmem:$0x1EF88] =	vst v63  }
0x9e: {  	s0 =	sadd.s32 s6, s2  }
.Ltmp4:
0x9f: {  	s2 =	sand.u32 $0x1FFFFFF0, s3;
	s3 =	spop (v2sf);
	(pc) =	sbr.rel @p2 .LBB2_5-.Ltmp4, $4  }
0xa0: {  	[tilespmem:s29], [sflag:$0x9] =	stream.linear.gather [hbm4b:s0+s16], $0x40, $0x38;
	[tilespmem:$0x1EF88] =	vst v63  }
0xa1: {  	s0 =	sadd.s32 s6, s2;
	s2 =	sadd.s32 $0xFFFFFF80, s26;
	s3 =	sand.u32 $0x1FFFFFF0, s3  }
0xa2: {  	[tilespmem:s2], [sflag:$0x9] =	stream.linear.gather [hbm4b:s0+s16], $0x40, $0x38;
	[tilespmem:$0x1EF88] =	vst v63  }
0xa3: {  	s28 =	sadd.s32 $0x10, s28;
	s26 =	sadd.s32 $0x800, s26;
	s0 =	sadd.s32 s6, s3  }
0xa4: {  	[tilespmem:s24], [sflag:$0x9] =	stream.linear.gather [hbm4b:s0+s16], $0x40, $0x38;
	[tilespmem:$0x1EF88] =	vst v63  }
0xa5: {  	s9 =	rddreg [dreg:$0x5]  }
0xa6: {  	s10 =	rddreg [dreg:$0x6]  }
0xa7: {  	s11 =	rddreg [dreg:$0x7];
	s12 =	simm.s32 $0xC  }
.LBB2_7:
0xa8: {  	p2 =	slt.u32 s20, $0x2  }
.Ltmp5:
0xa9: {  	_ = 	snop;
	(pc) =	sbr.rel @p2 .LBB2_25-.Ltmp5, $1  }
0xaa: {  	_ =	sdelay $0x3  }
0xab: {  	p2 =	sgt.s32 s23, $0x27EC0;
	s0 =	smov.u32 s23;
	s2 =	sshra.s32 s23, $0x1F  }
0xac: {  	s0 =	simm.s32 @!p2 $0x27EC0;
	s2 =	sand.u32 s2, s23  }
0xad: {  	s0 =	ssub.s32 s0, s2  }
0xae: {  	s0 =	sadd.s32 $0xFFFD8140, s0  }
0xaf: {  	s3 =	simm.s32 $0x9;
	s30 =	sshll.u32 s0, $0x2  }
0xb0: {  	_ =	swait.ge [sflag:s3], $0x5000;
	s2 =	ssub.s32 $0x500, s30  }
0xb1: {  	[sflag:s3] =	ssyncset.done $0x0;
	p2 =	sgt.s32 s0, $0x13F;
	s0 =	sshrl.u32 s2, $0x2  }
0xb2: {  	s31 =	simm.s32 $0xB;
	[sflag:s3] =	ssyncadd.s32 $0xFFFFB000;
	s0 =	simm.s32 @p2 $0x0  }
0xb3: {  	_ =	swait.ge [sflag:s31], s0  }
0xb4: {  	s0 =	ssub.s32 $0x0, s0;
	[sflag:s31] =	ssyncset.done $0x0  }
0xb5: {  	[sflag:s31] =	ssyncadd.s32 s0  }
0xb6: {  	v1 =	vld [tilespmem:$0xA108];
	_ =	sdelay $0x4  }
0xb7: {  	(v2sf) =	vpush v1, $0x0  }
0xb8: {  	(v2sf) =	vpush v1, $0x1  }
0xb9: {  	(v2sf) =	vpush v1, $0x2;
	_ =	sdelay $0x3  }
0xba: {  	s2 =	sadd.s32 $0x140, s23  }
0xbb: {  	s3 =	ssub.s32 $0x50000, s23;
	p2 =	slt.s32 s10, s2  }
0xbc: {  	s2 =	smov.u32 @p2 s10;
	p2 =	sgt.s32 s3, $0x0  }
0xbd: {  	s24 =	ssub.s32 s2, s23;
	s3 =	simm.s32 @!p2 $0x0  }
0xbe: {  	p2 =	slt.s32 s3, s24  }
0xbf: {  	s24 =	smov.u32 @p2 s3  }
0xc0: {  	s0 =	simm.s32 $0x1;
	p2 =	slt.s32 s24, $0x1  }
.Ltmp6:
0xc1: {  	s0 =	simm.s32 @!p1 $0x0;
	(pc) =	sbr.rel @p2 .LBB2_12-.Ltmp6, $4  }
0xc2: {  	s4 =	smul.u32 $0x500, s0  }
0xc3: {  	s2 =	spop (v2sf)  }
0xc4: {  	s4 =	sshrl.u32 s4, $0x2;
	s3 =	spop (v2sf)  }
0xc5: {  	s25 =	sadd.s32 $0xAD08, s4;
	s23 =	spop (v2sf)  }
0xc6: {  	s4 =	smin.u32 s24, $0x10  }
0xc7: {  	v1 =	vmov s4  }
0xc8: {  	p3 =	sgt.s32 s24, $0x10;
	vm1 =	vgt.u32 v1, v0  }
.Ltmp7:
0xc9: {  	_ = 	snop;
	(pc) =	sbr.rel @!p3 .LBB2_11-.Ltmp7, $2  }
0xca: {  	_ =	sdelay $0x2  }
0xcb: {  	s5 =	simm.s32 $0x10;
	s26 =	sadd.s32 $0xFFFFFFF0, s24;
	s4 =	smov.u32 s25;
	vm0 =	vmmov vm1  }
.LBB2_10:
0xcc: {  	s7 =	smin.u32 s26, $0x10;
	s5 =	sadd.s32 $0x10, s5;
	v1 =	vld.msk [tilespmem:s4+$0x0 ss:$0x1], vm1  }
0xcd: {  	v2 =	vmov s7;
	p3 =	slt.s32 s5, s24  }
0xce: {  	vm1 =	vgt.u32 v2, v0  }
.Ltmp8:
0xcf: {  	(pc) =	sbr.rel @p3 .LBB2_10-.Ltmp8, $3  }
0xd0: {  	_ =	sdelay $0x1  }
0xd1: {  	v1 =	vshll.u32 v1, $0x4  }
0xd2: {  	s26 =	sadd.s32 $0xFFFFFFF0, s26;
	[tilespmem:s4+$0x0] =	vst.msk vm0, v1;
	s4 =	sadd.s32 $0x10, s4;
	vm0 =	vmmov vm1  }
.LBB2_11:
0xd3: {  	_ =	sdelay $0x4  }
0xd4: {  	v1 =	vld.msk [tilespmem:s4+$0x0 ss:$0x1], vm1;
	_ =	sdelay $0x4  }
0xd5: {  	v1 =	vshll.u32 v1, $0x4  }
0xd6: {  	[tilespmem:s4+$0x0] =	vst.msk vm0, v1  }
.LBB2_12:
0xd7: {  	s4 =	sand.u32 $0x1, s20  }
0xd8: {  	s4 =	smul.u32 $0x140, s4  }
0xd9: {  	p3 =	sne.s32 s3, $0xFFFFFFFF  }
0xda: {  	v1 =	vld.msk @!p3 [tilespmem:s4+$0xAD08], $0x1;
	_ =	sdelay $0x4  }
0xdb: {  	(v2sf) =	vpush @!p3 v1, $0x0;
	_ =	sdelay $0xc  }
.Ltmp9:
0xdc: {  	_ = 	snop;
	(pc) =	sbr.rel @p2 .LBB2_23-.Ltmp9, $4  }
0xdd: {  	_ = 	snop  }
0xde: {  	s30 =	spop @!p3 (v2sf)  }
0xdf: {  	s23 =	simm.s32 @!p3 $0x0;
	s26 =	smov.u32 s30  }
0xe0: {  	[sflag:s12] =	ssyncpa.u1 $0x0;
	s30 =	smov.u32 @p3 s2;
	s26 =	smov.u32 @p3 s3  }
0xe1: {  	v1 =	vld.msk [tilespmem:s25+$0x0], $0x1;
	_ =	sdelay $0x4  }
0xe2: {  	(v2sf) =	vpush v1, $0x0;
	_ =	sdelay $0xe  }
0xe3: {  	s0 =	smul.u32 $0x28000, s0;
	s3 =	spop (v2sf)  }
0xe4: {  	p2 =	seq.s32 s30, s3  }
0xe5: {  	s2 =	smov.u32 s30;
	s0 =	sshrl.u32 s0, $0x2;
	p3 =	sgt.s32 @!p2 s30, $0x0  }
0xe6: {  	s28 =	sadd.s32 $0xAFA8, s0;
	s0 =	sadd.s32 $0xFFFFFFFF, s24;
	p3 =	por !p3, p2  }
0xe7: {  	s2 =	simm.s32 @p3 $0x0;
	p3 =	sne.s32 s0, $0x0  }
.Ltmp10:
0xe8: {  	_ = 	snop;
	(pc) =	sbr.rel @!p3 .LBB2_15-.Ltmp10, $4  }
0xe9: {  	_ = 	snop  }
0xea: {  	s29 =	simm.s32 $0x0;
	s4 =	simm.s32 @!p2 $0x1;
	s2 =	smin.u32 @!p2 s2, $0x271F8  }
0xeb: {  	s5 =	simm.s32 @!p2 $0x50C8;
	s4 =	smov.u32 @p2 s29;
	s7 =	sand.u32 @!p2 $0x3FFF8, s2  }
0xec: {  	s31 =	sand.u32 @!p2 $0x7, s2;
	s2 =	sadd.s32 $0x1, s25;
	s14 =	sadd.s32 @!p2 s1, s7  }
.LBB2_14:
0xed: {  	s7 =	smov.u32 s4  }
0xee: {  	[tilespmem:s5], [sflag:$0x2] =	stream.linear.gather @!p2 [hbm4b:s14+s31], $0x40, $0x38;
	[tilespmem:$0x1EF88] =	vst v63  }
0xef: {  	s0 =	sadd.s32 $0xFFFFFFFF, s0;
	s8 =	smov.u32 s3;
	v1 =	vld.msk [tilespmem:s2+$0x0], $0x1  }
0xf0: {  	p3 =	sne.s32 s0, $0x0;
	_ =	sdelay $0x3  }
0xf1: {  	(v2sf) =	vpush v1, $0x0;
	_ =	sdelay $0xe  }
0xf2: {  	s3 =	spop (v2sf)  }
0xf3: {  	p2 =	seq.s32 s8, s3  }
0xf4: {  	p4 =	sgt.s32 @!p2 s8, $0x0;
	s5 =	sshll.u32 @!p2 s4, $0x8;
	s4 =	sadd.s32 @!p2 $0x1, s4  }
.Ltmp11:
0xf5: {  	p4 =	por !p4, p2;
	s5 =	sshra.s32 @!p2 s5, $0x2;
	(pc) =	sbr.rel @p3 .LBB2_14-.Ltmp11, $4  }
0xf6: {  	s4 =	smov.u32 @p2 s7;
	s8 =	simm.s32 @p4 $0x0;
	s5 =	sadd.s32 @!p2 $0x50C8, s5  }
0xf7: {  	s7 =	smin.u32 @!p2 s8, $0x271F8  }
0xf8: {  	s8 =	sand.u32 @!p2 $0x3FFF8, s7;
	s31 =	sand.u32 @!p2 $0x7, s7  }
0xf9: {  	s2 =	sadd.s32 $0x1, s2;
	s14 =	sadd.s32 @!p2 s1, s8  }
.LBB2_15:
0xfa: {  	[tilespmem:s5], [sflag:$0x2] =	stream.linear.gather @!p2 [hbm4b:s14+s31], $0x40, $0x38;
	[tilespmem:$0x1EF88] =	vst v63  }
.Ltmp12:
0xfb: {  	s0 =	sshll.u32 s4, $0x6;
	(pc) =	sbr.rel .LBB2_16-.Ltmp12, $4  }
0xfc: {  	s2 =	simm.s32 $0x2;
	s0 =	sand.u32 $0x3FFFFFC0, s0  }
0xfd: {  	_ =	swait.ge [sflag:s2], s0  }
0xfe: {  	s0 =	ssub.s32 $0x0, s0;
	[sflag:s2] =	ssyncset.done $0x0  }
0xff: {  	s4 =	simm.s32 $0x0;
	[sflag:s2] =	ssyncadd.s32 s0  }
.LBB2_17:
0x100: {  	v1 =	vld [tilespmem:s28+$0xFFFFFFE0];
	_ =	sdelay $0x4  }
0x101: {  	[tilespmem:s2+$0x88] =	vst.add.f32.msk $0xffff, v1  }
0x102: {  	v1 =	vld [tilespmem:s28+$0xFFFFFFF0];
	_ =	sdelay $0x4  }
0x103: {  	[tilespmem:s2+$0x98] =	vst.add.f32.msk $0xffff, v1  }
0x104: {  	v1 =	vld [tilespmem:s28+$0x0];
	_ =	sdelay $0x4  }
0x105: {  	[tilespmem:s2+$0xA8] =	vst.add.f32.msk $0xffff, v1  }
0x106: {  	v1 =	vld [tilespmem:s28+$0x10];
	_ =	sdelay $0x4  }
0x107: {  	[tilespmem:s2+$0xB8] =	vst.add.f32.msk $0xffff, v1  }
.LBB2_21:
0x108: {  	s24 =	sadd.s32 $0xFFFFFFFF, s24  }
0x109: {  	p2 =	sne.s32 s24, $0x0  }
.Ltmp13:
0x10a: {  	_ = 	snop;
	(pc) =	sbr.rel @!p2 .LBB2_22-.Ltmp13, $2  }
0x10b: {  	_ =	sdelay $0x2  }
0x10c: {  	s28 =	sadd.s32 $0x80, s28;
	s25 =	sadd.s32 $0x1, s25;
	s30 =	smov.u32 s0  }
.LBB2_16:
0x10d: {  	v1 =	vld.msk [tilespmem:s25+$0x0], $0x1;
	_ =	sdelay $0x4  }
0x10e: {  	(v2sf) =	vpush v1, $0x0;
	_ =	sdelay $0xe  }
0x10f: {  	s0 =	spop (v2sf)  }
0x110: {  	p2 =	sne.s32 s30, s0  }
.Ltmp14:
0x111: {  	_ = 	snop;
	(pc) =	sbr.rel @!p2 .LBB2_17-.Ltmp14, $3  }
0x112: {  	_ =	sdelay $0x1  }
0x113: {  	s2 =	sshll.u32 s23, $0x8  }
0x114: {  	s2 =	sshra.s32 s2, $0x2  }
0x115: {  	p2 =	seq.s32 s30, s26  }
.Ltmp15:
0x116: {  	_ = 	snop;
	(pc) =	sbr.rel @!p2 .LBB2_19-.Ltmp15, $1  }
0x117: {  	_ =	sdelay $0x3  }
.Ltmp16:
0x118: {  	s2 =	sadd.s32 $0x88, s2;
	(pc) =	sbr.rel .LBB2_20-.Ltmp16, $4  }
0x119: {  	[spmem:s15] =	stream.linear.scatter [tilespmem:s2], [sflag:$0x1], $0x40, $0x38;
	[tilespmem:$0x1EF88] =	vst v63  }
0x11a: {  	_ =	swait.ge [sflag:s18], $0x40  }
0x11b: {  	[sflag:s18] =	ssyncset.done $0x0  }
0x11c: {  	[sflag:s18] =	ssyncadd.s32 $0xFFFFFFC0  }
.LBB2_19:
0x11d: {  	s3 =	sshll.u32 s29, $0x8  }
0x11e: {  	s3 =	sshra.s32 s3, $0x2  }
0x11f: {  	v1 =	vld [tilespmem:s3+$0x50C8];
	_ =	sdelay $0x4  }
0x120: {  	[tilespmem:s2+$0x88] =	vst.add.f32.msk $0xffff, v1  }
0x121: {  	v1 =	vld [tilespmem:s3+$0x50D8];
	_ =	sdelay $0x4  }
0x122: {  	[tilespmem:s2+$0x98] =	vst.add.f32.msk $0xffff, v1  }
0x123: {  	v1 =	vld [tilespmem:s3+$0x50E8];
	_ =	sdelay $0x4  }
0x124: {  	[tilespmem:s2+$0xA8] =	vst.add.f32.msk $0xffff, v1  }
0x125: {  	v1 =	vld [tilespmem:s3+$0x50F8];
	_ =	sdelay $0x2  }
0x126: {  	p2 =	sgt.u32 s30, $0x271F8  }
0x127: {  	s3 =	sand.u32 @!p2 $0x3FFF8, s30  }
0x128: {  	s5 =	sadd.s32 $0x88, s2;
	[tilespmem:s2+$0xB8] =	vst.add.f32.msk $0xffff, v1;
	s2 =	sadd.s32 @!p2 s1, s3;
	s3 =	sand.u32 @!p2 $0x7, s30  }
0x129: {  	[hbm4b:s2+s3] =	stream.linear.scatter @!p2 [tilespmem:s5], [sflag:$0xC], $0x40, $0x38;
	[tilespmem:$0x1EF88] =	vst v63  }
0x12a: {  	s2 =	simm.s32 $0x0  }
0x12b: {  	s2 =	simm.s32 @!p2 $0x100  }
0x12c: {  	s4 =	sadd.s32 s2, s4  }
.LBB2_20:
0x12d: {  	s2 =	sadd.s32 $0x1, s23  }
0x12e: {  	s3 =	smulhi.u32 $0xCCCCCCCD, s2;
	_ =	sdelay $0x1  }
0x12f: {  	v1 =	vld [tilespmem:s28+$0xFFFFFFE0];
	s3 =	sshrl.u32 s3, $0x8  }
0x130: {  	s3 =	smul.u32 $0x140, s3;
	_ =	sdelay $0x1  }
0x131: {  	s23 =	ssub.s32 s2, s3  }
0x132: {  	s2 =	sshll.u32 s23, $0x6  }
0x133: {  	[tilespmem:s2+$0x88] =	vst v1  }
0x134: {  	v1 =	vld [tilespmem:s28+$0xFFFFFFF0];
	_ =	sdelay $0x4  }
0x135: {  	[tilespmem:s2+$0x98] =	vst v1  }
0x136: {  	v1 =	vld [tilespmem:s28+$0x0];
	_ =	sdelay $0x4  }
0x137: {  	[tilespmem:s2+$0xA8] =	vst v1  }
0x138: {  	v1 =	vld [tilespmem:s28+$0x10]  }
.Ltmp17:
0x139: {  	_ = 	snop;
	(pc) =	sbr.rel .LBB2_21-.Ltmp17, $2  }
0x13a: {  	_ =	sdelay $0x2  }
0x13b: {  	s29 =	sadd.s32 $0x1, s29;
	[tilespmem:s2+$0xB8] =	vst v1  }
.LBB2_23:
.Ltmp18:
0x13c: {  	(pc) =	sbr.rel .LBB2_24-.Ltmp18, $4  }
0x13d: {  	_ = 	snop  }
0x13e: {  	s0 =	simm.s32 $0x2  }
0x13f: {  	_ =	swait.ge [sflag:s0], $0x0  }
0x140: {  	s2 =	simm.s32 $0x0;
	[sflag:s0] =	ssyncset.done $0x0;
	s0 =	smov.u32 s30  }
.LBB2_26:
0x141: {  	_ =	sfence.sel $0x180000  }
0x142: {  	s0 =	simm.s32 $0x9;
	[bflag:$0x0] =	sbarrier.arrive $0xFFFF  }
0x143: {  	s24 =	simm.s32 $0xA;
	[sflag:s0] =	ssyncpa.u1 $0x1  }
0x144: {  	s25 =	simm.s32 $0xB;
	[sflag:s24] =	ssyncpa.u1 $0x1  }
0x145: {  	s26 =	simm.s32 $0x2;
	[sflag:s25] =	ssyncpa.u1 $0x1  }
0x146: {  	[sflag:s26] =	ssyncpa.u1 $0x1  }
0x147: {  	v0 =	vld [tilespmem:$0xA108];
	_ =	sdelay $0x4  }
0x148: {  	(v2sf) =	vpush v0, $0x0  }
0x149: {  	(v2sf) =	vpush v0, $0x1;
	_ =	sdelay $0x1  }
0x14a: {  	(v2sf) =	vpush v0, $0x2;
	_ =	sdelay $0xb  }
0x14b: {  	s0 =	spop (v2sf)  }
0x14c: {  	s2 =	spop (v2sf)  }
0x14d: {  	s3 =	smov.u32 s0;
	p0 =	sne.s32 s0, s2  }
0x14e: {  	s4 =	spop (v2sf);
	s3 =	simm.s32 @!p0 $0xFFFFFFFF  }
0x14f: {  	v2 =	vimm.s32 $0x1;
	v3 =	vlaneseq.u32;
	p0 =	seq.s32 s4, $0xFFFFFFFF;
	v1 =	vmov s3  }
0x150: {  	s14 =	stileid.u32;
	v0 =	vperm.xlane v0, v2;
	p1 =	sne.s32 @!p0 s0, s2;
	v1 =	vperm.xlane v1, v3  }
0x151: {  	vm0 =	vcmask $0x3F04;
	s6 =	simm.s32 $0xA108;
	s0 =	simm.s32 @!p0 $0x1;
	p1 =	por !p1, p0  }
0x152: {  	s3 =	sshll.u32 s14, $0x1;
	s2 =	sshll.u32 @!p0 s4, $0x8;
	s0 =	simm.s32 @p1 $0x0;
	v0 =	vsel vm0, v1, v0  }
0x153: {  	s5 =	sor.u32 $0x800, s3;
	s2 =	sshra.s32 @!p0 s2, $0x2;
	s0 =	sor.u32 @!p0 s0, s3;
	[tilespmem:$0xA108] =	vst v0  }
0x154: {  	[spmem:s5] =	stream.linear.scatter [tilespmem:s6], [sflag:$0x1], $0x2, $0x38;
	[tilespmem:$0x1EF88] =	vst v63  }
0x155: {  	s2 =	sadd.s32 @!p0 $0x88, s2;
	s0 =	sshll.u32 @!p0 s0, $0x6  }
0x156: {  	[spmem:s0] =	stream.linear.scatter @!p0 [tilespmem:s2], [sflag:$0x1], $0x40, $0x38;
	[tilespmem:$0x1EF88] =	vst v63  }
0x157: {  	s0 =	simm.s32 @!p0 $0x42  }
0x158: {  	s28 =	simm.s32 $0x1;
	s0 =	simm.s32 @p0 $0x2  }
0x159: {  	_ =	swait.ge [sflag:s28], s0  }
0x15a: {  	s0 =	ssub.s32 $0x0, s0;
	[sflag:s28] =	ssyncset.done $0x0  }
0x15b: {  	p0 =	sne.s32 s14, $0x0;
	[sflag:s28] =	ssyncadd.s32 s0  }
.Ltmp19:
0x15c: {  	_ =	sfence.stream.spmem;
	(pc) =	sbr.rel @p0 .LBB2_43-.Ltmp19, $4  }
0x15d: {  	s29 =	simm.s32 $0x3;
	[bflag:$0x0] =	sbarrier.arrive $0xFFFF  }
0x15e: {  	s30 =	simm.s32 $0x4;
	[sflag:s29] =	ssyncpa.u1 $0x1  }
0x15f: {  	s31 =	simm.s32 $0x3C;
	[sflag:s30] =	ssyncpa.u1 $0x1  }
0x160: {  	s13 =	rddreg [dreg:$0x4];
	[sflag:s31] =	ssyncpa.u1 $0x1  }
0x161: {  	_ =	sfence.stream.spmem;
	s0 =	simm.s32 $0x5  }
0x162: {  	s2 =	simm.s32 $0x800;
	s3 =	simm.s32 $0xA118;
	[sflag:s0] =	ssyncpa.u1 $0x0  }
0x163: {  	[tilespmem:s3], [sflag:$0x5] =	stream.linear.gather [spmem:s2], $0x20, $0x38;
	[tilespmem:$0x1EF88] =	vst v63  }
0x164: {  	s26 =	simm.s32 $0x0;
	s28 =	simm.s32 $0xA138  }
0x165: {  	[tilespmem:s28], [sflag:$0x5] =	stream.linear.gather [spmem:s26], $0x800, $0x38;
	[tilespmem:$0x1EF88] =	vst v63  }
0x166: {  	_ =	swait.ge [sflag:s0], $0x820  }
0x167: {  	[sflag:s0] =	ssyncset.done $0x0  }
0x168: {  	s29 =	simm.s32 $0x0;
	[sflag:s0] =	ssyncadd.s32 $0xFFFFF7E0  }
0x169: {  	v0 =	vld.msk [tilespmem:s29+$0xA118], $0x1;
	_ =	sdelay $0x1  }
0x16a: {  	s30 =	simm.s32 $0x1  }
0x16b: {  	v1 =	vld.msk [tilespmem:s30+$0xA118], $0x1;
	_ =	sdelay $0x1  }
0x16c: {  	(v2sf) =	vpush v0, $0x0;
	_ =	sdelay $0x2  }
0x16d: {  	(v2sf) =	vpush v1, $0x0;
	_ =	sdelay $0x2  }
0x16e: {  	s31 =	simm.s32 $0x2  }
0x16f: {  	v0 =	vld.msk [tilespmem:s31+$0xA118], $0x1;
	_ =	sdelay $0x2  }
0x170: {  	s2 =	simm.s32 $0xFFFFFFFF;
	s3 =	simm.s32 $0xFFFFFFFF;
	s0 =	simm.s32 $0xC  }
.LBB2_28:
0x171: {  	s4 =	smov.u32 s3;
	s5 =	smov.u32 s2  }
0x172: {  	s2 =	sshra.s32 s0, $0x2;
	p1 =	sne.s32 s0, $0x7C;
	s0 =	sadd.s32 $0x4, s0;
	(v2sf) =	vpush v0, $0x0  }
0x173: {  	v0 =	vld.msk [tilespmem:s2+$0xA118], $0x1  }
.Ltmp20:
0x174: {  	(pc) =	sbr.rel @p1 .LBB2_28-.Ltmp20, $4  }
0x175: {  	s3 =	spop (v2sf)  }
0x176: {  	p2 =	sne.s32 s5, $0xFFFFFFFF;
	s2 =	smov.u32 s3  }
0x177: {  	p3 =	seq.s32 s3, $0xFFFFFFFF;
	s2 =	smov.u32 @p2 s5  }
0x178: {  	s3 =	smov.u32 @p3 s4;
	s2 =	smov.u32 @p3 s5  }
0x179: {  	(v2sf) =	vpush v0, $0x0;
	_ =	sdelay $0x8  }
0x17a: {  	s0 =	spop (v2sf)  }
0x17b: {  	p1 =	sne.s32 s2, $0xFFFFFFFF;
	s4 =	smov.u32 s0  }
0x17c: {  	s9 =	simm.s32 $0x6;
	p2 =	seq.s32 s0, $0xFFFFFFFF;
	s4 =	smov.u32 @p1 s2  }
0x17d: {  	s6 =	simm.s32 $0x0;
	s4 =	smov.u32 @p2 s2;
	s2 =	spop (v2sf)  }
0x17e: {  	s0 =	smov.u32 @p2 s3;
	p1 =	sne.s32 s4, $0xFFFFFFFF;
	s5 =	smov.u32 s2  }
.Ltmp21:
0x17f: {  	p2 =	seq.s32 s2, $0xFFFFFFFF;
	s5 =	smov.u32 @p1 s4;
	(pc) =	sbr.rel .LBB2_30-.Ltmp21, $4  }
0x180: {  	s10 =	simm.s32 $0xA0C8;
	s5 =	smov.u32 @p2 s4;
	s7 =	spop (v2sf)  }
0x181: {  	s11 =	simm.s32 $0x0;
	p1 =	sne.s32 s5, $0xFFFFFFFF;
	s8 =	smov.u32 s7  }
0x182: {  	s2 =	smov.u32 @p2 s0;
	p2 =	seq.s32 s7, $0xFFFFFFFF;
	s8 =	smov.u32 @p1 s5  }
0x183: {  	[sflag:s9] =	ssyncpa.u1 $0x0;
	s7 =	smov.u32 @p2 s2;
	s8 =	smov.u32 @p2 s5  }
.LBB2_36:
0x184: {  	p1 =	sgt.u32 s0, $0x271F8  }
0x185: {  	p2 =	seq.s32 @!p1 s0, s8  }
0x186: {  	p1 =	por p1, p2  }
0x187: {  	p2 =	sne.s32 @!p1 s0, s7  }
0x188: {  	p1 =	por p1, !p2  }
0x189: {  	s0 =	sshll.u32 @p1 s11, $0x8  }
0x18a: {  	s2 =	sand.u32 @!p1 $0x3FFF8, s0  }
0x18b: {  	s0 =	sand.u32 @!p1 $0x7, s0;
	s2 =	sadd.s32 @!p1 s1, s2  }
0x18c: {  	[tilespmem:s10], [sflag:$0x6] =	stream.linear.gather @!p1 [hbm4b:s2+s0], $0x40, $0x38;
	[tilespmem:$0x1EF88] =	vst v63  }
0x18d: {  	_ =	swait.ge @!p1 [sflag:s9], $0x40  }
0x18e: {  	[sflag:s9] =	ssyncset.done @!p1 $0x0  }
0x18f: {  	[sflag:s9] =	ssyncadd.s32 @!p1 $0xFFFFFFC0  }
0x190: {  	v1 =	vld @!p1 [tilespmem:$0xA0C8];
	_ =	sdelay $0x2  }
0x191: {  	s0 =	sshll.u32 @!p1 s11, $0x8  }
0x192: {  	s2 =	sshrl.u32 @!p1 s0, $0x2  }
0x193: {  	[tilespmem:s2+$0xA138] =	vst.add.f32.msk @!p1 $0xffff, v1  }
0x194: {  	v1 =	vld @!p1 [tilespmem:$0xA0D8];
	_ =	sdelay $0x4  }
0x195: {  	[tilespmem:s2+$0xA148] =	vst.add.f32.msk @!p1 $0xffff, v1  }
0x196: {  	v1 =	vld @!p1 [tilespmem:$0xA0E8];
	_ =	sdelay $0x4  }
0x197: {  	[tilespmem:s2+$0xA158] =	vst.add.f32.msk @!p1 $0xffff, v1  }
0x198: {  	v1 =	vld @!p1 [tilespmem:$0xA0F8];
	_ =	sdelay $0x4  }
0x199: {  	[tilespmem:s2+$0xA168] =	vst.add.f32.msk @!p1 $0xffff, v1  }
0x19a: {  	s0 =	sshrl.u32 s0, $0x2;
	[tilespmem:s6+$0xA118] =	vst.msk $0x1, v0  }
0x19b: {  	v0 =	vld [tilespmem:s0+$0xA138];
	_ =	sdelay $0x2  }
0x19c: {  	s31 =	sshll.u32 s6, $0x8  }
0x19d: {  	s2 =	sshra.s32 s31, $0x2  }
0x19e: {  	[tilespmem:s2+$0xA138] =	vst v0  }
0x19f: {  	v0 =	vld [tilespmem:s0+$0xA148];
	_ =	sdelay $0x4  }
0x1a0: {  	[tilespmem:s2+$0xA148] =	vst v0  }
0x1a1: {  	v0 =	vld [tilespmem:s0+$0xA158];
	_ =	sdelay $0x4  }
0x1a2: {  	[tilespmem:s2+$0xA158] =	vst v0  }
0x1a3: {  	v0 =	vld [tilespmem:s0+$0xA168];
	_ =	sdelay $0x4  }
0x1a4: {  	s6 =	sadd.s32 $0x1, s6;
	[tilespmem:s2+$0xA168] =	vst v0  }
.LBB2_37:
0x1a5: {  	s11 =	sadd.s32 $0x1, s11  }
0x1a6: {  	p1 =	sne.s32 s11, $0x20  }
.Ltmp22:
0x1a7: {  	_ = 	snop;
	(pc) =	sbr.rel @!p1 .LBB2_38-.Ltmp22, $1  }
0x1a8: {  	_ =	sdelay $0x3  }
.LBB2_30:
0x1a9: {  	v0 =	vld.msk [tilespmem:s11+$0xA118], $0x1;
	_ =	sdelay $0x4  }
0x1aa: {  	(v2sf) =	vpush v0, $0x0;
	_ =	sdelay $0xe  }
0x1ab: {  	s0 =	spop (v2sf)  }
0x1ac: {  	p1 =	seq.s32 s0, $0xFFFFFFFF  }
.Ltmp23:
0x1ad: {  	_ = 	snop;
	(pc) =	sbr.rel @p1 .LBB2_37-.Ltmp23, $1  }
0x1ae: {  	_ =	sdelay $0x3  }
0x1af: {  	p1 =	slt.s32 s6, $0x1  }
.Ltmp24:
0x1b0: {  	_ = 	snop;
	(pc) =	sbr.rel @p1 .LBB2_36-.Ltmp24, $1  }
0x1b1: {  	_ =	sdelay $0x3  }
0x1b2: {  	s2 =	simm.s32 $0xA118;
	p1 =	por $0x0, $0x0  }
0x1b3: {  	v1 =	vld.msk @!p1 [tilespmem:s2+$0x0], $0x1;
	_ =	sdelay $0x4  }
0x1b4: {  	(v2sf) =	vpush @!p1 v1, $0x0;
	_ =	sdelay $0xd  }
0x1b5: {  	p3 =	sne.s32 s6, $0x1  }
.Ltmp25:
0x1b6: {  	s3 =	spop @!p1 (v2sf);
	(pc) =	sbr.rel @!p3 .LBB2_34-.Ltmp25, $4  }
0x1b7: {  	p2 =	seq.s32 @!p1 s0, s3  }
0x1b8: {  	s3 =	simm.s32 $0x0;
	p2 =	por !p2, p1  }
0x1b9: {  	s5 =	simm.s32 $0xFFFFFFFF;
	s3 =	simm.s32 @p2 $0xFFFFFFFF  }
0x1ba: {  	s4 =	simm.s32 $0x1;
	s3 =	smov.u32 @p1 s5  }
.LBB2_33:
0x1bb: {  	s5 =	smov.u32 s3;
	p1 =	sne.s32 s3, $0xFFFFFFFF  }
0x1bc: {  	s2 =	sadd.s32 $0x1, s2;
	s3 =	smov.u32 s4;
	s4 =	sadd.s32 $0x1, s4  }
0x1bd: {  	p2 =	sne.s32 s6, s4;
	v1 =	vld.msk @!p1 [tilespmem:s2+$0x0], $0x1;
	_ =	sdelay $0x4  }
0x1be: {  	(v2sf) =	vpush @!p1 v1, $0x0;
	_ =	sdelay $0xe  }
.Ltmp26:
0x1bf: {  	s12 =	spop @!p1 (v2sf);
	(pc) =	sbr.rel @p2 .LBB2_33-.Ltmp26, $4  }
0x1c0: {  	p3 =	seq.s32 @!p1 s0, s12  }
0x1c1: {  	p3 =	por !p3, p1  }
0x1c2: {  	s3 =	simm.s32 @p3 $0xFFFFFFFF  }
0x1c3: {  	s3 =	smov.u32 @p1 s5  }
.LBB2_34:
0x1c4: {  	p1 =	seq.s32 s3, $0xFFFFFFFF  }
.Ltmp27:
0x1c5: {  	_ = 	snop;
	(pc) =	sbr.rel @p1 .LBB2_36-.Ltmp27, $1  }
0x1c6: {  	_ =	sdelay $0x3  }
0x1c7: {  	s0 =	sshll.u32 s11, $0x6  }
0x1c8: {  	s0 =	sand.u32 $0x3FFFFFC0, s0  }
0x1c9: {  	v0 =	vld [tilespmem:s0+$0xA138];
	_ =	sdelay $0x2  }
0x1ca: {  	s2 =	sshll.u32 s3, $0x8  }
0x1cb: {  	s2 =	sshra.s32 s2, $0x2  }
0x1cc: {  	[tilespmem:s2+$0xA138] =	vst.add.f32.msk $0xffff, v0  }
0x1cd: {  	v0 =	vld [tilespmem:s0+$0xA148];
	_ =	sdelay $0x4  }
0x1ce: {  	[tilespmem:s2+$0xA148] =	vst.add.f32.msk $0xffff, v0  }
0x1cf: {  	v0 =	vld [tilespmem:s0+$0xA158];
	_ =	sdelay $0x4  }
0x1d0: {  	[tilespmem:s2+$0xA158] =	vst.add.f32.msk $0xffff, v0  }
0x1d1: {  	v0 =	vld [tilespmem:s0+$0xA168]  }
.Ltmp28:
0x1d2: {  	_ = 	snop;
	(pc) =	sbr.rel .LBB2_37-.Ltmp28, $2  }
0x1d3: {  	_ =	sdelay $0x2  }
0x1d4: {  	[tilespmem:s2+$0xA168] =	vst.add.f32.msk $0xffff, v0  }
.LBB2_38:
0x1d5: {  	s0 =	simm.s32 $0x6;
	p1 =	seq.s32 s6, $0x0  }
0x1d6: {  	[sflag:s0] =	ssyncpa.u1 $0x1;
	v0 =	vimm.s32 @p1 $0xFFFFFFFF  }
0x1d7: {  	s0 =	sadd.s32 $0xFFFFFFFF, s6;
	[tilespmem:$0xA938] =	vst @p1 v0  }
0x1d8: {  	v0 =	vld.msk @!p1 [tilespmem:s0+$0xA118], $0x1;
	_ =	sdelay $0x1  }
0x1d9: {  	v1 =	vld.msk @!p1 [tilespmem:$0xA118], $0x1;
	_ =	sdelay $0x2  }
0x1da: {  	p2 =	seq.s32 @!p1 s0, $0x0;
	v0 =	vbroadcast @!p1 v0, $0x0  }
0x1db: {  	vm0 =	vmmov @!p1 $0x1;
	p2 =	por !p2, p1  }
0x1dc: {  	v1 =	vnsel @!p1 vm0, $0xFFFFFFFF, v1;
	vm0 =	vcmask @!p1 $0x308;
	v0 =	vpsel !p2, $0xFFFFFFFF, v0  }
0x1dd: {  	p2 =	sne.s32 @!p1 s8, s7;
	v0 =	vsel @!p1 vm0, v1, v0  }
0x1de: {  	s2 =	simm.s32 @!p1 $0xA138;
	s3 =	simm.s32 @!p1 $0x0;
	p3 =	por !p2, p1;
	[tilespmem:$0xA938] =	vst @!p1 v0  }
0x1df: {  	[spmem:s3] =	stream.linear.scatter @!p1 [tilespmem:s2], [sflag:$0x1], $0x40, $0x38;
	[tilespmem:$0x1EF88] =	vst v63  }
0x1e0: {  	s2 =	sshll.u32 @!p3 s0, $0x8  }
0x1e1: {  	s2 =	sshra.s32 @!p3 s2, $0x2  }
0x1e2: {  	s3 =	simm.s32 @!p3 $0x40;
	s2 =	sadd.s32 @!p3 $0xA138, s2  }
0x1e3: {  	[spmem:s3] =	stream.linear.scatter @!p3 [tilespmem:s2], [sflag:$0x1], $0x40, $0x38;
	[tilespmem:$0x1EF88] =	vst v63  }
0x1e4: {  	s2 =	simm.s32 @!p3 $0x1  }
0x1e5: {  	_ =	swait.ge @!p3 [sflag:s2], $0x80  }
0x1e6: {  	p1 =	por p2, p1;
	[sflag:s2] =	ssyncset.done @!p3 $0x0  }
0x1e7: {  	[sflag:s2] =	ssyncadd.s32 @!p3 $0xFFFFFF80;
	s2 =	simm.s32 @!p1 $0x1  }
0x1e8: {  	_ =	swait.ge @!p1 [sflag:s2], $0x40  }
0x1e9: {  	s29 =	simm.s32 $0xA938;
	[sflag:s2] =	ssyncset.done @!p1 $0x0  }
0x1ea: {  	s30 =	simm.s32 $0x800;
	s31 =	simm.s32 $0x1;
	[sflag:s2] =	ssyncadd.s32 @!p1 $0xFFFFFFC0  }
0x1eb: {  	[spmem:s30] =	stream.linear.scatter [tilespmem:s29], [sflag:$0x1], $0x10, $0x38;
	[tilespmem:$0x1EF88] =	vst v63  }
0x1ec: {  	_ =	swait.ge [sflag:s31], $0x10  }
0x1ed: {  	[sflag:s31] =	ssyncset.done $0x0  }
0x1ee: {  	p1 =	seq.s32 s13, $0x0;
	s9 =	rddreg [dreg:$0x1];
	[sflag:s31] =	ssyncadd.s32 $0xFFFFFFF0  }
0x1ef: {  	s3 =	sshll.u32 @p1 s9, $0xE;
	s8 =	rddreg [dreg:$0x2]  }
0x1f0: {  	s2 =	sadd.s32 @p1 $0x15C3C, s3;
	s3 =	sshll.u32 @p1 s8, $0x11  }
0x1f1: {  	_ =	sfence.stream.spmem;
	s2 =	sor.u32 @p1 s3, s2  }
0x1f2: {  	[sflag:s2] =	ssyncadd.remote.s32 @p1 $0x1;
	s2 =	simm.s32 @p1 $0x4  }
0x1f3: {  	s4 =	simm.s32 @!p1 $0x3C;
	s3 =	sand.u32 $0xFFFFFFFE, s9;
	_ =	swait.ge @p1 [sflag:s2], $0x12  }
0x1f4: {  	s5 =	simm.s32 @!p1 $0x0;
	s3 =	sadd.s32 @!p1 $0x4, s3;
	[sflag:s2] =	ssyncset.done @p1 $0x0  }
0x1f5: {  	s7 =	simm.s32 @!p1 $0x80;
	[sflag:s2] =	ssyncadd.s32 @p1 $0xFFFFFFEE;
	s2 =	sshll.u32 @!p1 s3, $0x1A  }
0x1f6: {  	s3 =	sshll.u32 @!p1 s3, $0xD;
	s2 =	sor.u32 @!p1 s2, s8;
	_ =	swait.eq @!p1 [sflag:s4], $0x1  }
0x1f7: {  	s3 =	sor.u32 @!p1 $0x1C04, s3;
	s4 =	simm.s32 @!p1 $0x1C03;
	s2 =	sor.u32 @!p1 $0x80004000, s2  }
0x1f8: {  	[spmem:s7], [sflag:s3] =	dma.general @!p1 [spmem:s5], [sflag:s4], length:$0x10, [dreg:$0x0], stride_count:$0x0, ici_dest:s2, dma_misc:DstOpCode:WRITE  }
0x1f9: {  	p2 =	slt.s32 s0, $0x2;
	s5 =	simm.s32 @!p1 $0x100;
	s7 =	simm.s32 @!p1 $0x102  }
0x1fa: {  	[spmem:s7], [sflag:s3] =	dma.general @!p1 [spmem:s5], [sflag:s4], length:$0x2, [dreg:$0x0], stride_count:$0x0, ici_dest:s2, dma_misc:DstOpCode:WRITE  }
.Ltmp29:
0x1fb: {  	s2 =	simm.s32 @!p1 $0x3;
	(pc) =	sbr.rel @p2 .LBB2_42-.Ltmp29, $4  }
0x1fc: {  	s3 =	sshll.u32 @!p1 s9, $0xE;
	_ =	swait.ge @!p1 [sflag:s2], $0x12  }
0x1fd: {  	s4 =	sshll.u32 @!p1 s8, $0x11;
	s3 =	sadd.s32 @!p1 $0x11C3C, s3;
	[sflag:s2] =	ssyncset.done @!p1 $0x0  }
0x1fe: {  	[sflag:s2] =	ssyncadd.s32 @!p1 $0xFFFFFFEE;
	s2 =	sor.u32 @!p1 s4, s3  }
0x1ff: {  	s0 =	simm.s32 $0x0;
	[sflag:s2] =	ssyncadd.remote.s32 @!p1 $0xFFFFFFFF  }
0x200: {  	s0 =	simm.s32 $0xA119  }
0x201: {  	v0 =	vld.msk [tilespmem:s0+$0x0], $0x1;
	_ =	sdelay $0x4  }
0x202: {  	(v2sf) =	vpush v0, $0x0;
	_ =	sdelay $0xc  }
0x203: {  	s2 =	sadd.s32 $0xFFFFFFFE, s6  }
0x204: {  	s2 =	sadd.s32 $0xFFFFFFFF, s2  }
0x205: {  	p2 =	sne.s32 s2, $0x0;
	s3 =	spop (v2sf)  }
.Ltmp30:
0x206: {  	p1 =	sgt.u32 s3, $0x271F8;
	(pc) =	sbr.rel @!p2 .LBB2_41-.Ltmp30, $4  }
0x207: {  	s5 =	simm.s32 $0x0;
	s4 =	sand.u32 @!p1 $0x3FFF8, s3  }
0x208: {  	s0 =	simm.s32 $0xA178;
	s3 =	sand.u32 @!p1 $0x7, s3;
	s4 =	sadd.s32 @!p1 s1, s4  }
0x209: {  	[hbm4b:s4+s3] =	stream.linear.scatter @!p1 [tilespmem:s0], [sflag:$0x5], $0x40, $0x38;
	[tilespmem:$0x1EF88] =	vst v63  }
0x20a: {  	s5 =	simm.s32 @!p1 $0x100;
	s3 =	simm.s32 $0x0;
	s4 =	simm.s32 $0xA11A  }
.LBB2_40:
0x20b: {  	v0 =	vld.msk [tilespmem:s4+$0x0], $0x1;
	s2 =	sadd.s32 $0xFFFFFFFF, s2;
	s3 =	sadd.s32 s3, s5  }
0x20c: {  	p1 =	sne.s32 s2, $0x0;
	_ =	sdelay $0x3  }
0x20d: {  	(v2sf) =	vpush v0, $0x0;
	_ =	sdelay $0xe  }
.Ltmp31:
0x20e: {  	s6 =	spop (v2sf);
	(pc) =	sbr.rel @p1 .LBB2_40-.Ltmp31, $4  }
0x20f: {  	s5 =	simm.s32 $0x0;
	p2 =	sgt.u32 s6, $0x271F8  }
0x210: {  	s0 =	sadd.s32 $0x40, s0;
	s5 =	simm.s32 @!p2 $0x100;
	s7 =	sand.u32 @!p2 $0x3FFF8, s6  }
0x211: {  	s4 =	sadd.s32 $0x1, s4;
	s6 =	sand.u32 @!p2 $0x7, s6;
	s7 =	sadd.s32 @!p2 s1, s7  }
0x212: {  	[hbm4b:s7+s6] =	stream.linear.scatter @!p2 [tilespmem:s0], [sflag:$0x5], $0x40, $0x38;
	[tilespmem:$0x1EF88] =	vst v63  }
.LBB2_41:
0x213: {  	s0 =	sadd.s32 s3, s5  }
0x214: {  	s0 =	sshrl.u32 s0, $0x2  }
.LBB2_42:
0x215: {  	s2 =	simm.s32 $0x5  }
0x216: {  	_ =	swait.ge [sflag:s2], s0  }
0x217: {  	s31 =	ssub.s32 $0x0, s0;
	[sflag:s2] =	ssyncset.done $0x0  }
0x218: {  	[sflag:s2] =	ssyncadd.s32 s31  }
0x219: {  	[sflag:s2] =	ssyncpa.u1 $0x1  }
.LBB2_43:
0x21a: {  	s0 =	sor.u32 s13, s14  }
0x21b: {  	p1 =	sne.s32 s0, $0x0  }
.Ltmp32:
0x21c: {  	_ = 	snop;
	(pc) =	sbr.rel @p1 .LBB2_58-.Ltmp32, $3  }
0x21d: {  	_ =	sdelay $0x1  }
0x21e: {  	[bflag:$0x0] =	sbarrier.arrive $0xFFFF  }
0x21f: {  	_ =	sfence  }
0x220: {  	s0 =	simm.s32 $0x7  }
0x221: {  	s2 =	simm.s32 $0x800;
	s3 =	simm.s32 $0xA118;
	[sflag:s0] =	ssyncpa.u1 $0x0  }
0x222: {  	[tilespmem:s3], [sflag:$0x7] =	stream.linear.gather [spmem:s2], $0x20, $0x38;
	[tilespmem:$0x1EF88] =	vst v63  }
0x223: {  	s30 =	simm.s32 $0xA138;
	s2 =	simm.s32 $0x0  }
0x224: {  	[tilespmem:s30], [sflag:$0x7] =	stream.linear.gather [spmem:s2], $0x800, $0x38;
	[tilespmem:$0x1EF88] =	vst v63  }
.Ltmp33:
0x225: {  	_ = 	snop;
	(pc) =	sbr.rel .LBB2_45-.Ltmp33, $4  }
0x226: {  	_ =	swait.ge [sflag:s0], $0x820  }
0x227: {  	[sflag:s0] =	ssyncset.done $0x0  }
0x228: {  	s31 =	simm.s32 $0x8;
	[sflag:s0] =	ssyncadd.s32 $0xFFFFF7E0  }
0x229: {  	s3 =	simm.s32 $0x0;
	[sflag:s31] =	ssyncpa.u1 $0x0  }
.LBB2_51:
0x22a: {  	p1 =	slt.u32 s0, $0x271F9  }
0x22b: {  	s4 =	sand.u32 @p1 $0x3FFF8, s0  }
0x22c: {  	s0 =	sand.u32 @p1 $0x7, s0;
	s5 =	simm.s32 @p1 $0xA0C8;
	s4 =	sadd.s32 @p1 s1, s4  }
0x22d: {  	[tilespmem:s5], [sflag:$0x8] =	stream.linear.gather @p1 [hbm4b:s4+s0], $0x40, $0x38;
	[tilespmem:$0x1EF88] =	vst v63  }
0x22e: {  	s0 =	simm.s32 @p1 $0x8  }
0x22f: {  	_ =	swait.ge @p1 [sflag:s0], $0x40  }
0x230: {  	[sflag:s0] =	ssyncset.done @p1 $0x0  }
0x231: {  	[sflag:s0] =	ssyncadd.s32 @p1 $0xFFFFFFC0  }
0x232: {  	v1 =	vld @p1 [tilespmem:$0xA0C8];
	_ =	sdelay $0x2  }
0x233: {  	s0 =	sshll.u32 @p1 s3, $0x8  }
0x234: {  	s4 =	sshrl.u32 @p1 s0, $0x2  }
0x235: {  	[tilespmem:s4+$0xA138] =	vst.add.f32.msk @p1 $0xffff, v1  }
0x236: {  	v1 =	vld @p1 [tilespmem:$0xA0D8];
	_ =	sdelay $0x4  }
0x237: {  	[tilespmem:s4+$0xA148] =	vst.add.f32.msk @p1 $0xffff, v1  }
0x238: {  	v1 =	vld @p1 [tilespmem:$0xA0E8];
	_ =	sdelay $0x4  }
0x239: {  	[tilespmem:s4+$0xA158] =	vst.add.f32.msk @p1 $0xffff, v1  }
0x23a: {  	v1 =	vld @p1 [tilespmem:$0xA0F8];
	_ =	sdelay $0x3  }
0x23b: {  	s5 =	sshll.u32 @!p1 s3, $0x8  }
0x23c: {  	s5 =	smov.u32 @p1 s0;
	[tilespmem:s4+$0xA168] =	vst.add.f32.msk @p1 $0xffff, v1  }
0x23d: {  	s0 =	sshrl.u32 s5, $0x2;
	[tilespmem:s2+$0xA118] =	vst.msk $0x1, v0  }
0x23e: {  	v0 =	vld [tilespmem:s0+$0xA138];
	_ =	sdelay $0x2  }
0x23f: {  	s31 =	sshll.u32 s2, $0x8  }
0x240: {  	s4 =	sshra.s32 s31, $0x2  }
0x241: {  	[tilespmem:s4+$0xA138] =	vst v0  }
0x242: {  	v0 =	vld [tilespmem:s0+$0xA148];
	_ =	sdelay $0x4  }
0x243: {  	[tilespmem:s4+$0xA148] =	vst v0  }
0x244: {  	v0 =	vld [tilespmem:s0+$0xA158];
	_ =	sdelay $0x4  }
0x245: {  	[tilespmem:s4+$0xA158] =	vst v0  }
0x246: {  	v0 =	vld [tilespmem:s0+$0xA168];
	_ =	sdelay $0x4  }
0x247: {  	s2 =	sadd.s32 $0x1, s2;
	[tilespmem:s4+$0xA168] =	vst v0  }
.LBB2_52:
0x248: {  	s3 =	sadd.s32 $0x1, s3  }
0x249: {  	p1 =	sne.s32 s3, $0x20  }
.Ltmp34:
0x24a: {  	_ = 	snop;
	(pc) =	sbr.rel @!p1 .LBB2_53-.Ltmp34, $1  }
0x24b: {  	_ =	sdelay $0x3  }
.LBB2_45:
0x24c: {  	v0 =	vld.msk [tilespmem:s3+$0xA118], $0x1;
	_ =	sdelay $0x4  }
0x24d: {  	(v2sf) =	vpush v0, $0x0;
	_ =	sdelay $0xe  }
0x24e: {  	s0 =	spop (v2sf)  }
0x24f: {  	p1 =	seq.s32 s0, $0xFFFFFFFF  }
.Ltmp35:
0x250: {  	_ = 	snop;
	(pc) =	sbr.rel @p1 .LBB2_52-.Ltmp35, $1  }
0x251: {  	_ =	sdelay $0x3  }
0x252: {  	p1 =	slt.s32 s2, $0x1  }
.Ltmp36:
0x253: {  	_ = 	snop;
	(pc) =	sbr.rel @p1 .LBB2_51-.Ltmp36, $1  }
0x254: {  	_ =	sdelay $0x3  }
0x255: {  	s4 =	simm.s32 $0xA118;
	p1 =	por $0x0, $0x0  }
0x256: {  	v1 =	vld.msk @!p1 [tilespmem:s4+$0x0], $0x1;
	_ =	sdelay $0x4  }
0x257: {  	(v2sf) =	vpush @!p1 v1, $0x0;
	_ =	sdelay $0xd  }
0x258: {  	p3 =	sne.s32 s2, $0x1  }
.Ltmp37:
0x259: {  	s5 =	spop @!p1 (v2sf);
	(pc) =	sbr.rel @!p3 .LBB2_49-.Ltmp37, $4  }
0x25a: {  	p2 =	seq.s32 @!p1 s0, s5  }
0x25b: {  	s5 =	simm.s32 $0x0;
	p2 =	por !p2, p1  }
0x25c: {  	s7 =	simm.s32 $0xFFFFFFFF;
	s5 =	simm.s32 @p2 $0xFFFFFFFF  }
0x25d: {  	s6 =	simm.s32 $0x1;
	s5 =	smov.u32 @p1 s7  }
.LBB2_48:
0x25e: {  	s7 =	smov.u32 s5;
	p1 =	sne.s32 s5, $0xFFFFFFFF  }
0x25f: {  	s4 =	sadd.s32 $0x1, s4;
	s5 =	smov.u32 s6;
	s6 =	sadd.s32 $0x1, s6  }
0x260: {  	p2 =	sne.s32 s2, s6;
	v1 =	vld.msk @!p1 [tilespmem:s4+$0x0], $0x1;
	_ =	sdelay $0x4  }
0x261: {  	(v2sf) =	vpush @!p1 v1, $0x0;
	_ =	sdelay $0xe  }
.Ltmp38:
0x262: {  	s8 =	spop @!p1 (v2sf);
	(pc) =	sbr.rel @p2 .LBB2_48-.Ltmp38, $4  }
0x263: {  	p3 =	seq.s32 @!p1 s0, s8  }
0x264: {  	p3 =	por !p3, p1  }
0x265: {  	s5 =	simm.s32 @p3 $0xFFFFFFFF  }
0x266: {  	s5 =	smov.u32 @p1 s7  }
.LBB2_49:
0x267: {  	p1 =	seq.s32 s5, $0xFFFFFFFF  }
.Ltmp39:
0x268: {  	_ = 	snop;
	(pc) =	sbr.rel @p1 .LBB2_51-.Ltmp39, $1  }
0x269: {  	_ =	sdelay $0x3  }
0x26a: {  	s0 =	sshll.u32 s3, $0x6  }
0x26b: {  	s0 =	sand.u32 $0x3FFFFFC0, s0  }
0x26c: {  	v0 =	vld [tilespmem:s0+$0xA138];
	_ =	sdelay $0x2  }
0x26d: {  	s4 =	sshll.u32 s5, $0x8  }
0x26e: {  	s4 =	sshra.s32 s4, $0x2  }
0x26f: {  	[tilespmem:s4+$0xA138] =	vst.add.f32.msk $0xffff, v0  }
0x270: {  	v0 =	vld [tilespmem:s0+$0xA148];
	_ =	sdelay $0x4  }
0x271: {  	[tilespmem:s4+$0xA148] =	vst.add.f32.msk $0xffff, v0  }
0x272: {  	v0 =	vld [tilespmem:s0+$0xA158];
	_ =	sdelay $0x4  }
0x273: {  	[tilespmem:s4+$0xA158] =	vst.add.f32.msk $0xffff, v0  }
0x274: {  	v0 =	vld [tilespmem:s0+$0xA168]  }
.Ltmp40:
0x275: {  	_ = 	snop;
	(pc) =	sbr.rel .LBB2_52-.Ltmp40, $2  }
0x276: {  	_ =	sdelay $0x2  }
0x277: {  	[tilespmem:s4+$0xA168] =	vst.add.f32.msk $0xffff, v0  }
.LBB2_53:
0x278: {  	p1 =	slt.s32 s2, $0x1  }
.Ltmp41:
0x279: {  	_ = 	snop;
	(pc) =	sbr.rel @p1 .LBB2_57-.Ltmp41, $3  }
0x27a: {  	_ =	sdelay $0x1  }
0x27b: {  	s0 =	simm.s32 $0x8  }
0x27c: {  	[sflag:s0] =	ssyncpa.u1 $0x1;
	s0 =	simm.s32 $0x0  }
0x27d: {  	s3 =	simm.s32 $0xA118  }
0x27e: {  	v0 =	vld.msk [tilespmem:s3+$0x0], $0x1;
	_ =	sdelay $0x4  }
0x27f: {  	(v2sf) =	vpush v0, $0x0;
	_ =	sdelay $0xe  }
0x280: {  	s2 =	sadd.s32 $0xFFFFFFFF, s2;
	s4 =	spop (v2sf)  }
0x281: {  	p2 =	sne.s32 s2, $0x0;
	p1 =	sgt.u32 s4, $0x271F8  }
.Ltmp42:
0x282: {  	s5 =	sand.u32 @!p1 $0x3FFF8, s4;
	(pc) =	sbr.rel @!p2 .LBB2_56-.Ltmp42, $4  }
0x283: {  	s3 =	simm.s32 $0xA138;
	s4 =	sand.u32 @!p1 $0x7, s4;
	s5 =	sadd.s32 @!p1 s1, s5  }
0x284: {  	[hbm4b:s5+s4] =	stream.linear.scatter @!p1 [tilespmem:s3], [sflag:$0x7], $0x40, $0x38;
	[tilespmem:$0x1EF88] =	vst v63  }
0x285: {  	s5 =	simm.s32 $0x0  }
0x286: {  	s4 =	simm.s32 $0xA119;
	s5 =	simm.s32 @!p1 $0x100  }
.LBB2_55:
0x287: {  	v0 =	vld.msk [tilespmem:s4+$0x0], $0x1;
	s2 =	sadd.s32 $0xFFFFFFFF, s2;
	s0 =	sadd.s32 s0, s5  }
0x288: {  	p1 =	sne.s32 s2, $0x0;
	_ =	sdelay $0x3  }
0x289: {  	(v2sf) =	vpush v0, $0x0;
	_ =	sdelay $0xe  }
.Ltmp43:
0x28a: {  	s6 =	spop (v2sf);
	(pc) =	sbr.rel @p1 .LBB2_55-.Ltmp43, $4  }
0x28b: {  	s5 =	simm.s32 $0x0;
	p2 =	sgt.u32 s6, $0x271F8  }
0x28c: {  	s3 =	sadd.s32 $0x40, s3;
	s5 =	simm.s32 @!p2 $0x100;
	s7 =	sand.u32 @!p2 $0x3FFF8, s6  }
0x28d: {  	s4 =	sadd.s32 $0x1, s4;
	s6 =	sand.u32 @!p2 $0x7, s6;
	s7 =	sadd.s32 @!p2 s1, s7  }
0x28e: {  	[hbm4b:s7+s6] =	stream.linear.scatter @!p2 [tilespmem:s3], [sflag:$0x7], $0x40, $0x38;
	[tilespmem:$0x1EF88] =	vst v63  }
.LBB2_56:
0x28f: {  	s0 =	sadd.s32 s0, s5  }
0x290: {  	s0 =	sshrl.u32 s0, $0x2  }
.LBB2_57:
0x291: {  	s1 =	simm.s32 $0x7  }
0x292: {  	_ =	swait.ge [sflag:s1], s0  }
0x293: {  	s31 =	ssub.s32 $0x0, s0;
	[sflag:s1] =	ssyncset.done $0x0  }
0x294: {  	[sflag:s1] =	ssyncadd.s32 s31  }
0x295: {  	[sflag:s1] =	ssyncpa.u1 $0x1  }
.LBB2_58:
0x296: {  	_ =	sfence;
	s0 =	simm.s32 $0x1  }
0x297: {  	[sflag:s0] =	ssyncpa.u1 $0x1  }
0x298: {  	_ =	strace $0x9000004D  }
0x299: {  	[bflag:$0x2] =	sbarrier.arrive $0xFFFF  }
0x29a: {  	s0 =	rddreg [dreg:$0x3]  }
0x29b: {  	s0 =	sadd.s32 @!p0 $0x100000, s0  }
0x29c: {  	[sflag:s0] =	ssyncadd.tile.s32 @!p0 $0x1;
	_ =	shalt  }
.Lfunc_end2:
_tile_overlayer_lowered:
.L_overlay_start_2:
0x29d: {  	(tag) =	ssettag $0x2  }
0x29e: {  	s0 =	rddreg [dreg:$0x0];
	s2 =	stileid.u32  }
0x29f: {  	s1 =	rddreg [dreg:$0x1];
	p0 =	sne.s32 s2, $0x0  }
0x2a0: {  	s3 =	rddreg [dreg:$0x2];
	[bflag:$0x3] =	sbarrier.arrive $0xFFFF;
	s2 =	simm.s32 @!p0 $0x1C01  }
0x2a1: {  	[timem:s3], [sflag:s2] =	dma.local @!p0 [hbm:s0], s1  }
0x2a2: {  	s0 =	simm.s32 @!p0 $0x1  }
0x2a3: {  	_ =	swait.ge @!p0 [sflag:s0], s1  }
0x2a4: {  	s1 =	ssub.s32 @!p0 $0x0, s1;
	[sflag:s0] =	ssyncset.done @!p0 $0x0  }
0x2a5: {  	[sflag:s0] =	ssyncadd.s32 @!p0 s1  }
0x2a6: {  	[bflag:$0x3] =	sbarrier.arrive $0xFFFF  }
0x2a7: {  	_ =	shalt  }

// kernel: scatter_offload_async_start
scs
__scs_entry_jumppad:
0x0: {  	(pc) =	sbr.rel $0x88, $3  }
0x1: {  	(tag) =	ssettag $0x0;
	lr =	simm.s32 $0x1  }
0x2: {  	[smem:$0x3F94] =	sst lr;
	_ =	strace $0xD0000000  }
0x3: {  	_ = 	snop  }
0x4: {  	_ = 	snop  }
0x5: {  	_ = 	snop  }
0x6: {  	_ = 	snop  }
0x7: {  	_ = 	snop  }
__scs_overlays_trampoline_lowered:
0x8: {  	[smem:$0x3FA3] =	sst s0  }
0x9: {  	[smem:$0x3FA4] =	sst s1  }
0xa: {  	[smem:$0x3FA5] =	sst s2  }
0xb: {  	[smem:$0x3FA6] =	sst s3  }
0xc: {  	[smem:$0x3FA7] =	sst s4  }
0xd: {  	[smem:$0x3FA8] =	sst s5  }
0xe: {  	[smem:$0x3FA9] =	sst s6  }
0xf: {  	[smem:$0x3FAA] =	sst s7  }
0x10: {  	[smem:$0x3FAB] =	sst s8  }
0x11: {  	[smem:$0x3FAC] =	sst s9;
	s0 =	simm.s32 @!p0 $0x0  }
0x12: {  	s1 =	sld [smem:$0x3F92];
	s0 =	simm.s32 @p0 $0x1  }
0x13: {  	[smem:$0x3FAD] =	sst s0;
	s0 =	simm.s32 @!p1 $0x0  }
0x14: {  	s2 =	sld [smem:$0x3F91];
	s0 =	simm.s32 @p1 $0x1  }
0x15: {  	[smem:$0x3FAE] =	sst s0;
	s0 =	simm.s32 @!p2 $0x0  }
0x16: {  	s3 =	sld [smem:$0x3FDB];
	s0 =	simm.s32 @p2 $0x1  }
0x17: {  	s4 =	simm.s32 $0x1BF5;
	[smem:$0x3FB0] =	sst s0  }
0x18: {  	s0 =	sld [smem:$0x3F93];
	_ =	swait.ge [sflag:s4], $0x0  }
0x19: {  	s7 =	sld [smem:$0x3F94]  }
0x1a: {  	s8 =	sadd.s32 $0xFFFFE003, lr  }
0x1b: {  	s9 =	sadd.s32 $0xFFFFFEF7, lr;
	s5 =	simm.s32 $0xFFFFFFFF;
	p2 =	slt.u32 s8, $0xFFFFF086  }
0x1c: {  	p1 =	slt.u32 s9, $0xF7A;
	s5 =	simm.s32 @!p2 $0x0  }
0x1d: {  	s5 =	simm.s32 @p1 $0x1;
	p0 =	seq.s32 s7, s2  }
0x1e: {  	s7 =	smul.u32 @!p0 $0xF7A, s2;
	p2 =	seq.s32 @!p0 s5, $0x0  }
0x1f: {  	s9 =	smul.u32 $0xF7A, s1;
	s8 =	simm.s32 @!p0 $0x1BF5;
	p2 =	por !p2, p0  }
0x20: {  	[sflag:s8] =	ssyncset.s32 @!p0 $0xFFFFF086;
	s6 =	sadd.s32 @!p0 s3, s7;
	s7 =	simm.s32 @!p0 $0x108  }
0x21: {  	s3 =	sadd.s32 s3, s9;
	s6 =	sadd.s32 @!p0 $0x88, s6;
	s7 =	simm.s32 @p2 $0x1082  }
0x22: {  	[simem:s7], [sflag:s8] =	dma.local @!p0 [hbm:s6], $0xF7A  }
0x23: {  	s9 =	sor.u32 $0xD0000000, s2;
	s6 =	simm.s32 $0x108;
	_ =	swait.ge @!p0 [sflag:s8], $0x0  }
0x24: {  	s3 =	sadd.s32 $0x88, s3;
	s6 =	simm.s32 @!p1 $0x1082;
	[sflag:s4] =	ssyncset.s32 $0xFFFFF086  }
0x25: {  	[simem:s6], [sflag:s4] =	dma.local [hbm:s3], $0xF7A  }
0x26: {  	[smem:$0x3F94] =	sst s1;
	(tag) =	ssettag s2;
	_ =	strace s9  }
0x27: {  	s1 =	sld [smem:$0x3FA4]  }
0x28: {  	s2 =	sld [smem:$0x3FA5]  }
0x29: {  	s4 =	sld [smem:$0x3FA7]  }
0x2a: {  	p0 =	seq.s32 s5, $0x0;
	s5 =	sld [smem:$0x3FA8]  }
0x2b: {  	s6 =	sld [smem:$0x3FA9]  }
0x2c: {  	s7 =	sld [smem:$0x3FAA]  }
0x2d: {  	s3 =	simm.s32 $0x108;
	s8 =	sld [smem:$0x3FAB]  }
0x2e: {  	s3 =	simm.s32 @!p0 $0x1082;
	s9 =	sld [smem:$0x3FAC]  }
0x2f: {  	lr =	sadd.s32 s0, s3;
	s0 =	sld [smem:$0x3FA3]  }
0x30: {  	s3 =	sld [smem:$0x3FA6]  }
0x31: {  	[smem:$0x3FAF] =	sst s10  }
0x32: {  	s10 =	sld [smem:$0x3FAD];
	_ =	sdelay $0x3  }
0x33: {  	p0 =	seq.s32 s10, $0x1;
	s10 =	sld [smem:$0x3FAF];
	_ =	sdelay $0x3  }
0x34: {  	[smem:$0x3FAF] =	sst s10  }
0x35: {  	s10 =	sld [smem:$0x3FAE];
	_ =	sdelay $0x3  }
0x36: {  	p1 =	seq.s32 s10, $0x1;
	s10 =	sld [smem:$0x3FAF];
	_ =	sdelay $0x3  }
0x37: {  	[smem:$0x3FAF] =	sst s10  }
0x38: {  	s10 =	sld [smem:$0x3FB0]  }
0x39: {  	_ = 	snop;
	(pc) =	sbr.ind lr, $3  }
0x3a: {  	_ = 	snop  }
0x3b: {  	_ = 	snop  }
0x3c: {  	p2 =	seq.s32 s10, $0x1;
	s10 =	sld [smem:$0x3FAF]  }
0x3d: {  	_ =	shalt  }
0x3e: {  	_ =	shalt  }
0x3f: {  	_ =	shalt  }
0x40: {  	_ =	shalt  }
0x41: {  	_ =	shalt  }
0x42: {  	_ =	shalt  }
0x43: {  	_ =	shalt  }
0x44: {  	_ =	shalt  }
0x45: {  	_ =	shalt  }
0x46: {  	_ =	shalt  }
0x47: {  	_ =	shalt  }
0x48: {  	_ =	shalt  }
0x49: {  	_ =	shalt  }
0x4a: {  	_ =	shalt  }
0x4b: {  	_ =	shalt  }
0x4c: {  	_ =	shalt  }
0x4d: {  	_ =	shalt  }
0x4e: {  	_ =	shalt  }
0x4f: {  	_ =	shalt  }
0x50: {  	_ =	shalt  }
0x51: {  	_ =	shalt  }
0x52: {  	_ =	shalt  }
0x53: {  	_ =	shalt  }
0x54: {  	_ =	shalt  }
0x55: {  	_ =	shalt  }
0x56: {  	_ =	shalt  }
0x57: {  	_ =	shalt  }
0x58: {  	_ =	shalt  }
0x59: {  	_ =	shalt  }
0x5a: {  	_ =	shalt  }
0x5b: {  	_ =	shalt  }
0x5c: {  	_ =	shalt  }
0x5d: {  	_ =	shalt  }
0x5e: {  	_ =	shalt  }
0x5f: {  	_ =	shalt  }
0x60: {  	_ =	shalt  }
0x61: {  	_ =	shalt  }
0x62: {  	_ =	shalt  }
0x63: {  	_ =	shalt  }
0x64: {  	_ =	shalt  }
0x65: {  	_ =	shalt  }
0x66: {  	_ =	shalt  }
0x67: {  	_ =	shalt  }
0x68: {  	_ =	shalt  }
0x69: {  	_ =	shalt  }
0x6a: {  	_ =	shalt  }
0x6b: {  	_ =	shalt  }
0x6c: {  	_ =	shalt  }
0x6d: {  	_ =	shalt  }
0x6e: {  	_ =	shalt  }
0x6f: {  	_ =	shalt  }
0x70: {  	_ =	shalt  }
0x71: {  	_ =	shalt  }
0x72: {  	_ =	shalt  }
0x73: {  	_ =	shalt  }
0x74: {  	_ =	shalt  }
0x75: {  	_ =	shalt  }
0x76: {  	_ =	shalt  }
0x77: {  	_ =	shalt  }
0x78: {  	_ =	shalt  }
0x79: {  	_ =	shalt  }
0x7a: {  	_ =	shalt  }
0x7b: {  	_ =	shalt  }
0x7c: {  	_ =	shalt  }
0x7d: {  	_ =	shalt  }
0x7e: {  	_ =	shalt  }
0x7f: {  	_ =	shalt  }
0x80: {  	_ =	shalt  }
0x81: {  	_ =	shalt  }
0x82: {  	_ =	shalt  }
0x83: {  	_ =	shalt  }
0x84: {  	_ =	shalt  }
0x85: {  	_ =	shalt  }
0x86: {  	_ =	shalt  }
0x87: {  	_ =	shalt  }
.Lfunc_end0:
.L_simem_size_0:
called_computation_lowered:
.L_overlay_start_0:
0x88: {  	s0 =	sld [smem:$0x3FD9]  }
0x89: {  	s1 =	sld [smem:$0x3FFE];
	_ =	sdelay $0x3  }
0x8a: {  	s0 =	sadd.s32 s1, s0  }
0x8b: {  	[smem:$0x3FBB] =	sst s0  }
0x8c: {  	_ = 	snop  }
0x8d: {  	(tm) =	ssettm $0x1  }
0x8e: {  	s15 =	sld [smem:$0x3FFB];
	_ =	sdelay $0x3  }
0x8f: {  	_ =	strace s15  }
0x90: {  	s0 =	sld [smem:$0x3FFC];
	_ =	sdelay $0x3  }
0x91: {  	_ =	strace s0  }
0x92: {  	s0 =	sld [smem:$0x3FFD];
	_ =	sdelay $0x3  }
0x93: {  	_ =	strace s0  }
0x94: {  	_ =	strace $0x8FFFFFFF  }
0x95: {  	s16 =	sld [smem:$0x3FDB];
	_ =	sdelay $0x1  }
0x96: {  	s17 =	simm.s32 $_scs_section_size  }
0x97: {  	s2 =	simm.s32 $_size__tile_overlayer_lowered;
	s3 =	simm.s32 $_tile_overlayer_lowered  }
0x98: {  	s20 =	simm.s32 $0x1BFF;
	s19 =	sshll.u32 s3, $0x1;
	s0 =	sadd.s32 s17, s16  }
0x99: {  	s4 =	simm.s32 $0x0;
	s18 =	sshll.u32 s2, $0x1;
	s2 =	sadd.s32 s19, s0  }
0x9a: {  	[timem:s4], [sflag:s20] =	dma.local [hbm:s2], s18  }
0x9b: {  	_ =	swait.ge [sflag:s20], s18  }
0x9c: {  	s1 =	ssub.s32 $0x0, s18;
	[sflag:s20] =	ssyncset.done $0x0  }
0x9d: {  	[sflag:s20] =	ssyncadd.s32 s1;
	_ =	sdelay $0x1  }
0x9e: {  	s21 =	simm.s32 $0x1B8B  }
0x9f: {  	_ =	swait.ge [sflag:s21], $0x1  }
0xa0: {  	[sflag:s21] =	ssyncset.done $0x0  }
0xa1: {  	s23 =	simm.s32 $0x1B8E;
	s22 =	sld [smem:$0x3FFE];
	[sflag:s21] =	ssyncadd.s32 $0xFFFFFFFF  }
0xa2: {  	s24 =	simm.s32 $execute0_lowered;
	[smem:$0x3FD2] =	sst s23  }
0xa3: {  	s2 =	sshll.u32 s24, $0x1;
	_ =	strace $0x80000049;
	[dreg:$0x1] =	wrdreg $0xFFFFFFFF  }
0xa4: {  	s25 =	simm.s32 $_size_execute0_lowered;
	s0 =	sadd.s32 s0, s2;
	[dreg:$0x0] =	wrdreg $0x0  }
0xa5: {  	s2 =	sshll.u32 s25, $0x1;
	[dreg:$0x2] =	wrdreg s0  }
0xa6: {  	[dreg:$0x3] =	wrdreg s2  }
0xa7: {  	[dreg:$0x4] =	wrdreg $0xC0  }
0xa8: {  	_ =	task [dreg:s4], $0x5FFFF  }
0xa9: {  	[dreg:$0x1] =	wrdreg $0xFFFFFFFF  }
0xaa: {  	[dreg:$0x0] =	wrdreg $0x60  }
0xab: {  	[dreg:$0x2] =	wrdreg s22  }
0xac: {  	[dreg:$0x3] =	wrdreg $0x9  }
0xad: {  	_ =	task.clear_ibuf [dreg:s4], $0x4FFFF;
	_ =	strace $0x90000049  }
0xae: {  	s26 =	simm.s32 $0x9;
	_ =	strace $0x8000004B  }
0xaf: {  	_ =	swait.ge [sflag:s26], $0x1  }
0xb0: {  	[sflag:s26] =	ssyncadd.s32 $0xFFFFFFFF  }
0xb1: {  	_ =	strace $0x9000004B  }
0xb2: {  	_ =	sfence  }
0xb3: {  	s28 =	sld [smem:$0x0];
	_ =	sdelay $0x1  }
0xb4: {  	s29 =	srdreg.scid  }
0xb5: {  	s30 =	sshll.u32 s29, $0xD;
	s31 =	sshrl.u32 s29, $0x2  }
0xb6: {  	s1 =	sand.u32 $0x1, s29;
	s2 =	sand.u32 $0x4000, s30;
	s0 =	sadd.s32 s31, s28  }
0xb7: {  	s1 =	sor.u32 s2, s1;
	s0 =	sshll.u32 s0, $0x11  }
0xb8: {  	s0 =	sor.u32 s0, s1  }
0xb9: {  	s0 =	sadd.s32 $0x8F2B, s0  }
0xba: {  	[sflag:s0] =	ssyncadd.remote.s32 $0x1  }
0xbb: {  	_ =	sfence.sel $0xFFFF  }
0xbc: {  	[dreg:$0x0] =	wrdreg $0xFFFFFFFF;
	(pc) =	sbr.abs _section_cstart, $3  }
0xbd: {  	[dreg:$0x1] =	wrdreg $0xFFFFFFFF  }
0xbe: {  	_ =	task.clear_ibuf [dreg:s4], $0x2FFFF;
	_ =	strace $0x9FFFFFFF  }
0xbf: {  	(tm) =	ssettm $0x7FFFFFFF  }
tec
execute0_lowered:
.L_overlay_start_1:
0x0: {  	(tag) =	ssettag $0x1  }
0x1: {  	s0 =	rddreg [dreg:$0x0];
	_ =	strace $0x8000004A;
	s15 =	stileid.u32  }
0x2: {  	s2 =	simm.s32 $0x1;
	s1 =	smin.u32 s15, $0x8;
	s3 =	sshll.u32 s15, $0x1  }
0x3: {  	v1 =	vimm.s32 $0xFFFFFFFF;
	[sflag:s2] =	ssyncpa.u1 $0x0;
	s1 =	sadd.s32 s1, s3  }
0x4: {  	p0 =	slt.u32 s15, $0x8;
	[tilespmem:$0x10] =	vst v1;
	s4 =	smul.u32 $0x1F40, s1;
	s1 =	simm.s32 $0x5DC0  }
0x5: {  	v0 =	vimm.f32 $0.0e+00;
	[tilespmem:$0x20] =	vst v1;
	s1 =	simm.s32 @!p0 $0x3E80  }
0x6: {  	[tilespmem:$0x30] =	vst v0;
	s1 =	sadd.s32 s1, s4  }
0x7: {  	[tilespmem:$0x40] =	vst v0;
	s5 =	smin.u32 s1, $0x4E200  }
0x8: {  	s7 =	simm.s32 $0x2;
	s8 =	simm.s32 $0x8;
	[tilespmem:$0x50] =	vst v0;
	s9 =	ssub.s32 s5, s4  }
0x9: {  	s31 =	simm.s32 $0x9;
	s16 =	simm.s32 $0x0;
	[tilespmem:$0x60] =	vst v1;
	p0 =	sgt.s32 s9, $0x0  }
0xa: {  	s17 =	simm.s32 $0xF0;
	s18 =	simm.s32 $0xFFFFFFFF;
	[tilespmem:$0x70] =	vst v1;
	s9 =	simm.s32 @!p0 $0x0  }
0xb: {  	s19 =	simm.s32 $0xFFFFC280;
	s20 =	simm.s32 $0xFFFFFFFE;
	[tilespmem:$0x80] =	vst v1;
	s30 =	smulhi.u32 $0x10624DD3, s9  }
0xc: {  	s21 =	simm.s32 $0xF;
	s25 =	simm.s32 $0x0;
	s24 =	simm.s32 $0x0;
	v1 =	vimm.s32 $0x0;
	[tilespmem:$0xB0] =	vst v0  }
0xd: {  	s6 =	sadd.s32 $0x6B600, s0;
	s15 =	sshllo.u32 s15, $0x1;
	[tilespmem:$0x90] =	vst v1;
	s10 =	sshrl.u32 s30, $0x9  }
0xe: {  	[tilespmem:$0xA0] =	vst v1;
	[sflag:s7] =	ssyncpa.u1 $0x0;
	s7 =	simm.s32 $0x7;
	s11 =	smul.u32 $0x1F40, s10  }
.Ltmp0:
0xf: {  	s13 =	sor.u32 $0x80, s3;
	[sflag:s7] =	ssyncpa.u1 $0x0;
	(pc) =	sbr.rel .LBB2_1-.Ltmp0, $4  }
0x10: {  	s14 =	sor.u32 $0x81, s3;
	[sflag:s8] =	ssyncpa.u1 $0x0;
	p0 =	sne.s32 s9, s11  }
0x11: {  	s23 =	smov.u32 s4;
	s1 =	sadd.s32 $0x52200, s0;
	s2 =	simm.s32 @!p0 $0x0  }
0x12: {  	vm0 =	vmmov $0xffff;
	v2 =	vlaneseq.u32;
	[sflag:s31] =	ssyncpa.u1 $0x0;
	s9 =	sadd.s32 $0x75400, s0;
	s10 =	sadd.s32 s2, s10  }
0x13: {  	vm1 =	vmxor vm1, vm1;
	vm2 =	vmmov $0x1;
	vm3 =	vcmask $0x3F3C;
	p0 =	por $0x0, $0x0;
	s11 =	sadd.s32 $0x1, s10;
	s12 =	sadd.s32 $0x2, s10  }
.LBB2_9:
0x14: {  	p1 =	slt.u32 s24, $0x3  }
0x15: {  	s0 =	simm.s32 @!p1 $0x2  }
0x16: {  	_ =	swait.ge @!p1 [sflag:s0], $0x1F40  }
0x17: {  	[sflag:s0] =	ssyncset.done @!p1 $0x0  }
0x18: {  	[sflag:s0] =	ssyncadd.s32 @!p1 $0xFFFFE0C0;
	s0 =	simm.s32 @!p1 $0x9  }
0x19: {  	_ =	swait.ge @!p1 [sflag:s0], $0x10  }
0x1a: {  	[sflag:s0] =	ssyncset.done @!p1 $0x0  }
0x1b: {  	[sflag:s0] =	ssyncadd.s32 @!p1 $0xFFFFFFF0;
	p1 =	sne.s32 s24, s12  }
.Ltmp1:
0x1c: {  	s2 =	sadd.s32 $0x1F40, s23;
	(pc) =	sbr.rel @!p1 .LBB2_10-.Ltmp1, $4  }
0x1d: {  	s22 =	smov.u32 s4;
	s31 =	sadd.s32 $0x1, s24;
	s17 =	sadd.s32 $0x1F40, s17  }
0x1e: {  	s18 =	sadd.s32 $0x1, s18;
	s25 =	smov.u32 s23;
	p2 =	slt.s32 s2, s5  }
0x1f: {  	p0 =	por !p0, !p0;
	s19 =	sadd.s32 $0x1F40, s19;
	s22 =	smov.u32 @p2 s2  }
0x20: {  	s20 =	sadd.s32 $0x1, s20;
	s23 =	smov.u32 s22;
	s24 =	smov.u32 s31  }
.LBB2_1:
0x21: {  	p1 =	sge.u32 s24, s10  }
0x22: {  	s0 =	smulhi.u32 @!p1 $0xAAAAAAAB, s24;
	_ =	sdelay $0x1  }
0x23: {  	s0 =	sshrl.u32 @!p1 s0, $0x1  }
0x24: {  	s0 =	smul.u32 @!p1 $0x3, s0;
	_ =	sdelay $0x1  }
0x25: {  	s0 =	ssub.s32 @!p1 s24, s0  }
0x26: {  	s0 =	smul.u32 @!p1 $0x7D00, s0;
	_ =	sdelay $0x1  }
0x27: {  	s2 =	sshrl.u32 @!p1 s23, $0x3;
	s0 =	sshrl.u32 @!p1 s0, $0x2  }
0x28: {  	s22 =	sand.u32 @!p1 $0x7, s23;
	s2 =	sadd.s32 @!p1 s6, s2;
	s0 =	sadd.s32 @!p1 $0x100, s0  }
0x29: {  	[tilespmem:s0], [sflag:$0x7] =	stream.linear.gather @!p1 [hbm4b:s2+s22], $0x1F40, $0x38;
	[tilespmem:$0x11A60] =	vst v63  }
0x2a: {  	s0 =	sadd.s32 $0xFFFFFFFF, s24  }
0x2b: {  	p1 =	sge.u32 s0, s10  }
.Ltmp2:
0x2c: {  	_ = 	snop;
	(pc) =	sbr.rel @p1 .LBB2_5-.Ltmp2, $1  }
0x2d: {  	_ =	sdelay $0x3  }
0x2e: {  	s2 =	smulhi.u32 $0xAAAAAAAB, s0;
	_ =	sdelay $0x1  }
0x2f: {  	s2 =	sshrl.u32 s2, $0x1  }
0x30: {  	s2 =	smul.u32 $0x3, s2;
	_ =	sdelay $0x1  }
0x31: {  	s2 =	ssub.s32 s0, s2  }
0x32: {  	s2 =	smul.u32 $0x7D00, s2  }
0x33: {  	_ =	swait.ge [sflag:s7], $0x1F40  }
0x34: {  	[sflag:s7] =	ssyncset.done $0x0;
	s2 =	sshrl.u32 s2, $0x2  }
0x35: {  	[sflag:s7] =	ssyncadd.s32 $0xFFFFE0C0;
	(ifvalue) =	ssetifvalue $0xFFFFFFFF;
	v3 =	vld.msk [tilespmem:s2+$0x100 ss:$0x1], $0xffff;
	_ =	sdelay $0x2  }
0x36: {  	s30 =	smulhi.u32 $0xAAAAAAAB, s18;
	p1 =	sne.s32 s24, $0x1  }
0x37: {  	v4 =	vimm.s32 @!p1 $0x0  }
0x38: {  	s2 =	sshrl.u32 s30, $0x1;
	v4 =	vperm.xlane @!p1 v3, v4  }
0x39: {  	s22 =	sshll.u32 s24, $0x4;
	s2 =	smul.u32 $0xFFFE8900, s2;
	vm4 =	vlt.u32 v3, $0x2800  }
0x3a: {  	s22 =	sand.u32 $0x10, s22;
	v3 =	vnsel vm4, $0xFFFFFFFE, v3;
	vm4 =	vlt.u32 @!p1 v4, $0x2800  }
0x3b: {  	s2 =	sshra.s32 s2, $0x2;
	[tilespmem:s22+$0x60] =	vst v3;
	v3 =	vnsel @!p1 vm4, $0xFFFFFFFE, v4  }
0x3c: {  	s28 =	sadd.s32 s2, s17;
	[tilespmem:$0x80] =	vst @!p1 v3  }
0x3d: {  	v3 =	vld.msk [tilespmem:s28+$0x0 ss:$0x1], $0xffff;
	_ =	sdelay $0x4  }
0x3e: {  	(xrf1) =	vunique.msk.u32 $0xffff, v3;
	_ =	sdelay $0xd  }
0x3f: {  	v4 =	vimm.s32 $0xFFFFFFFF;
	v5, _, _ =	vpop (xrf1)  }
0x40: {  	vm5 =	vne.s32 v3, v4;
	vm4 =	veq.s32 v5, v2  }
0x41: {  	vm6 =	vlt.u32 v3, $0x2800;
	vm4 =	vmand vm5, vm4  }
0x42: {  	vm4 =	vmand vm6, vm4  }
0x43: {  	v4 =	vnsel vm4, $0xFFFFFFFF, v3  }
0x44: {  	s31 =	sand.u32 $0x1, s0  }
0x45: {  	s0 =	simm.s32 $0x1F40;
	p1 =	seq.s32 s31, $0x1  }
0x46: {  	s0 =	simm.s32 @!p1 $0x0  }
0x47: {  	s26 =	sadd.s32 $0x7DF0, s0;
	(ifvalue) =	ssetifvalue $0xFFFFFFFF  }
0x48: {  	v3 =	vperm.xlane v3, v1;
	[tilespmem:s26], [sflag:$0x8] =	stream.indirect_vreg.gather [hbm4b:s1+s16], $0x1, v4, vm0, $0x4038;
	v4 =	vnsel vm6, $0xFFFFFFFE, v4;
	[tilespmem:$0x11A60] =	vst v63  }
0x49: {  	s2 =	simm.s32 $0x0;
	s22 =	sadd.s32 $0xFFFFFFF0, s28;
	[tilespmem:s28+$0x0] =	vst v4  }
.LBB2_3:
0x4a: {  	v4 =	vld.msk [tilespmem:s22+$0x0 ss:$0x1], $0xffff;
	s2 =	sadd.s32 $0x10, s2;
	v5 =	vmov v3;
	s28 =	smov.u32 s22  }
0x4b: {  	p1 =	slt.u32 s2, $0x1F30;
	_ =	sdelay $0x4  }
0x4c: {  	v3 =	vperm.xlane v4, v1;
	(xrf1) =	vunique.msk.u32 $0xffff, v4;
	_ =	sdelay $0xd  }
0x4d: {  	v6, _, _ =	vpop (xrf1)  }
0x4e: {  	vm5 =	vne.s32 v4, v5;
	vm4 =	veq.s32 v6, v2  }
0x4f: {  	vm6 =	vlt.u32 v4, $0x2800;
	vm4 =	vmand vm5, vm4  }
0x50: {  	vm4 =	vmand vm6, vm4  }
0x51: {  	v4 =	vnsel vm4, $0xFFFFFFFF, v4  }
.Ltmp3:
0x52: {  	v5 =	vnsel vm6, $0xFFFFFFFE, v4;
	(pc) =	sbr.rel @p1 .LBB2_3-.Ltmp3, $3  }
0x53: {  	_ =	sdelay $0x1  }
0x54: {  	s22 =	sadd.s32 $0xFFFFFFF0, s22;
	s26 =	sadd.s32 $0xFFFFFFF0, s26;
	(ifvalue) =	ssetifvalue $0xFFFFFFFF  }
0x55: {  	[tilespmem:s26], [sflag:$0x8] =	stream.indirect_vreg.gather [hbm4b:s1+s16], $0x1, v4, vm0, $0x4038;
	[tilespmem:s28+$0x0] =	vst v5  }
0x56: {  	s2 =	sshrl.u32 s25, $0x3  }
0x57: {  	s0 =	sadd.s32 $0x9D40, s0;
	s2 =	sadd.s32 s9, s2  }
0x58: {  	[tilespmem:s0], [sflag:$0x8] =	stream.linear.gather [hbm:s2], $0x1F40, $0x38;
	[tilespmem:$0x11A60] =	vst v63  }
.LBB2_5:
0x59: {  	p1 =	slt.u32 s24, $0x2  }
0x5a: {  	p2 =	sge.u32 @!p1 s24, s12  }
0x5b: {  	p1 =	por p1, p2  }
.Ltmp4:
0x5c: {  	_ = 	snop;
	(pc) =	sbr.rel @p1 .LBB2_9-.Ltmp4, $1  }
0x5d: {  	_ =	sdelay $0x3  }
0x5e: {  	s0 =	sadd.s32 $0xFFFFFFFE, s24  }
0x5f: {  	s2 =	smulhi.u32 $0xAAAAAAAB, s0;
	_ =	sdelay $0x1  }
0x60: {  	s2 =	sshrl.u32 s2, $0x1  }
0x61: {  	s2 =	smul.u32 $0x3, s2;
	_ =	sdelay $0x1  }
0x62: {  	s0 =	ssub.s32 s0, s2  }
0x63: {  	_ =	swait.ge [sflag:s8], $0x3E80;
	s0 =	smul.u32 $0x1F40, s0  }
0x64: {  	p1 =	sne.s32 s24, s11;
	[sflag:s8] =	ssyncset.done $0x0  }
0x65: {  	[sflag:s8] =	ssyncadd.s32 $0xFFFFC180;
	s2 =	sadd.s32 @!p1 $0x203F, s0  }
0x66: {  	[spmem:s14] =	stream.linear.scatter @!p1 [tilespmem:s2], [sflag:$0x1], $0x1, $0x38;
	[tilespmem:$0x11A60] =	vst v63  }
0x67: {  	s2 =	simm.s32 @!p1 $0x1  }
0x68: {  	_ =	swait.ge @!p1 [sflag:s2], $0x1  }
0x69: {  	s22 =	sshll.u32 s24, $0x4;
	[sflag:s2] =	ssyncset.done @!p1 $0x0  }
0x6a: {  	s25 =	sand.u32 $0x10, s22;
	[sflag:s2] =	ssyncadd.s32 @!p1 $0xFFFFFFFF  }
0x6b: {  	s2 =	sxor.u32 $0x10, s25;
	v4 =	vld [tilespmem:s25+$0x10]  }
0x6c: {  	v5 =	vld [tilespmem:s2+$0x60]  }
0x6d: {  	v3 =	vld [tilespmem:$0x80];
	_ =	sdelay $0x2  }
0x6e: {  	(v2sf) =	vpush v4, $0x0  }
0x6f: {  	(v2sf) =	vpush v5, $0x0  }
0x70: {  	(v2sf) =	vpush v3, $0x0;
	_ =	sdelay $0xc  }
0x71: {  	s22 =	spop (v2sf)  }
0x72: {  	s26 =	spop (v2sf)  }
0x73: {  	s28 =	spop (v2sf)  }
0x74: {  	p2 =	seq.s32 s22, s26;
	p3 =	seq.s32 s28, s22  }
0x75: {  	p3 =	por p2, p3  }
0x76: {  	s26 =	sand.u32 $0x1, s24;
	v4 =	vpsel p3, $0xFFFFFFFF, v4  }
0x77: {  	s29 =	smul.u32 $0x1F40, s26;
	[tilespmem:s25+$0x10] =	vst.msk $0x1, v4  }
0x78: {  	v4 =	vld [tilespmem:$0x30]  }
0x79: {  	v5 =	vld [tilespmem:s29+$0x9D40]  }
0x7a: {  	v6 =	vld [tilespmem:s25+$0x40];
	_ =	sdelay $0x3  }
0x7b: {  	vm4 =	vmmov vm1;
	v5 =	vadd.f32 v5, v4  }
0x7c: {  	vm5 =	vmmov vm2;
	vm4 =	vmmov @p2 vm2;
	s22 =	sshll.u32 s26, $0x4;
	v4 =	vadd.f32 v6, v4  }
0x7d: {  	s26 =	sor.u32 $0x11A40, s22;
	vm5 =	vmmov @p3 vm1;
	[tilespmem:s29+$0x9D40] =	vst.msk vm4, v5  }
0x7e: {  	[tilespmem:s26+$0x0] =	vst.msk vm5, v4  }
0x7f: {  	v4 =	vld [tilespmem:s29+$0x7DF0];
	_ =	sdelay $0x3  }
0x80: {  	v5 =	vimm.f32 $0.0e+00  }
0x81: {  	v4 =	vshift.insert v4, v5, s21  }
0x82: {  	s22 =	sor.u32 $0x40, s2  }
0x83: {  	[tilespmem:s22+$0x0] =	vst.msk $0x1, v4  }
0x84: {  	[tilespmem:s29+$0x7DFF] =	vst.msk $0x1, v5  }
0x85: {  	v4 =	vld [tilespmem:s0+$0x2030];
	_ =	sdelay $0x1  }
0x86: {  	s22 =	smulhi.u32 $0xAAAAAAAB, s20;
	s0 =	simm.s32 $0x1  }
0x87: {  	s0 =	simm.s32 @!p0 $0x0  }
0x88: {  	s22 =	sshrl.u32 s22, $0x1;
	s0 =	smul.u32 $0x7D00, s0  }
0x89: {  	s22 =	smul.u32 $0xFFFE8900, s22;
	v4 =	vshift.insert v4, v1, s21  }
0x8a: {  	s0 =	sshrl.u32 s0, $0x2  }
0x8b: {  	s22 =	sshra.s32 s22, $0x2;
	s30 =	sadd.s32 $0x9D40, s0;
	[tilespmem:s2+$0x10] =	vst.msk $0x1, v4  }
0x8c: {  	s22 =	sadd.s32 s22, s19;
	v6 =	vld [tilespmem:s30+$0x0]  }
0x8d: {  	v7 =	vld [tilespmem:s22+$0x0];
	_ =	sdelay $0x3  }
0x8e: {  	v5 =	vadd.f32 v6, v5  }
0x8f: {  	vm4 =	vne.s32 v7, $0xFFFFFFFF  }
0x90: {  	(xrf2) =	vadd.seg.scan.f32 vm4, v5;
	_ =	sdelay $0x3  }
0x91: {  	s31 =	sadd.s32 $0x5EC0, s0;
	v5 =	vperm.xlane v4, v1  }
0x92: {  	v6 =	vld [tilespmem:s31+$0x0]  }
0x93: {  	vm5 =	veq.s32 v7, v3;
	vm6 =	veq.s32 v7, v5  }
0x94: {  	vm7 =	vgt.u32 v7, $0xFFFFFFFD;
	vm6 =	vmor vm6, vm5  }
0x95: {  	vm6 =	vmor vm6, vm7  }
0x96: {  	v9 =	vld [tilespmem:$0xA0];
	v7 =	vsel vm6, $0xFFFFFFFF, v7  }
0x97: {  	v10 =	vld [tilespmem:$0x90];
	v6 =	vsel vm5, $0x0, v6;
	v8, _, _ =	vpop (xrf2)  }
0x98: {  	v6 =	vadd.f32 v8, v6  }
0x99: {  	s0 =	sadd.s32 $0xDBC0, s0  }
0x9a: {  	vm4 =	vmand vm4, vm3;
	[tilespmem:s0+$0x0] =	vst v6;
	(ifvalue) =	ssetifvalue $0xFFFFFFFF  }
0x9b: {  	vm6 =	veq.s32 v9, $0x1;
	[hbm4b:s1+s16] =	stream.indirect_vreg.scatter [tilespmem:s0], [sflag:$0x2], $0x1, v7, vm0, $0x4038;
	v7 =	vsel vm4, $0x0, v8;
	[tilespmem:$0x11A60] =	vst v63  }
0x9c: {  	s2 =	simm.s32 $0x0;
	s22 =	sadd.s32 $0x10, s22;
	vm4 =	vmor vm6, vm5;
	v6 =	vsel vm5, v8, v10;
	v7 =	vshift.insert v7, v0, s21  }
.LBB2_7:
0x9d: {  	v8 =	vld [tilespmem:s22+$0x0];
	s30 =	sadd.s32 $0x10, s30  }
0x9e: {  	s31 =	sadd.s32 $0x10, s31;
	v9 =	vld [tilespmem:s30+$0x0]  }
0x9f: {  	s2 =	sadd.s32 $0x10, s2;
	v10 =	vld [tilespmem:s31+$0x0]  }
0xa0: {  	p2 =	slt.u32 s2, $0x1F30;
	_ =	sdelay $0x2  }
0xa1: {  	v7 =	vadd.f32 v9, v7  }
0xa2: {  	vm5 =	vne.s32 v8, $0xFFFFFFFF  }
0xa3: {  	vm6 =	vmand vm5, vm3;
	(xrf2) =	vadd.seg.scan.f32 vm5, v7;
	_ =	sdelay $0x5  }
0xa4: {  	vm7 =	veq.s32 v8, v5;
	vm5 =	veq.s32 v8, v3  }
0xa5: {  	vm8 =	vgt.u32 v8, $0xFFFFFFFD;
	vm4 =	vmor vm4, vm5;
	vm7 =	vmor vm7, vm5  }
0xa6: {  	vm7 =	vmor vm7, vm8  }
0xa7: {  	v8 =	vsel vm7, $0xFFFFFFFF, v8  }
.Ltmp5:
0xa8: {  	v7 =	vsel vm5, $0x0, v10;
	v9, _, _ =	vpop (xrf2);
	(pc) =	sbr.rel @p2 .LBB2_7-.Ltmp5, $4  }
0xa9: {  	v6 =	vsel vm5, v9, v6;
	v10 =	vadd.f32 v9, v7;
	v7 =	vsel vm6, $0x0, v9  }
0xaa: {  	s0 =	sadd.s32 $0x10, s0;
	v7 =	vshift.insert v7, v0, s21  }
0xab: {  	s22 =	sadd.s32 $0x10, s22;
	[tilespmem:s0+$0x0] =	vst v10;
	(ifvalue) =	ssetifvalue $0xFFFFFFFF  }
0xac: {  	[hbm4b:s1+s16] =	stream.indirect_vreg.scatter [tilespmem:s0], [sflag:$0x2], $0x1, v8, vm0, $0x4038;
	[tilespmem:$0x11A60] =	vst v63  }
0xad: {  	v3 =	vld [tilespmem:s29+$0xFAF0];
	_ =	sdelay $0x4  }
0xae: {  	v3 =	vshift.insert v3, v0, s21  }
0xaf: {  	s0 =	simm.s32 $0x30  }
0xb0: {  	[tilespmem:s0+$0x0] =	vst.msk $0x1, v3  }
0xb1: {  	v3 =	vsel vm4, $0x1, v1;
	[tilespmem:$0x90] =	vst v6  }
0xb2: {  	s0 =	sadd.s32 @!p1 $0xFAFF, s29;
	[tilespmem:$0xA0] =	vst v3  }
0xb3: {  	[spmem:s15] =	stream.linear.scatter @!p1 [tilespmem:s0], [sflag:$0x1], $0x1, $0x38;
	[tilespmem:$0x11A60] =	vst v63  }
0xb4: {  	s0 =	simm.s32 @!p1 $0x1  }
0xb5: {  	v3 =	vmctz.xlane @!p1 vm4;
	_ =	swait.ge @!p1 [sflag:s0], $0x1  }
0xb6: {  	(v2sf) =	vpush @!p1 v4, $0x0  }
0xb7: {  	(v2sf) =	vpush @!p1 v3, $0x0;
	_ =	sdelay $0xd  }
0xb8: {  	s2 =	spop @!p1 (v2sf)  }
0xb9: {  	s22 =	spop @!p1 (v2sf)  }
0xba: {  	p2 =	sne.s32 @!p1 s28, s2;
	p3 =	slt.s32 @!p1 s22, $0xF  }
0xbb: {  	[sflag:s0] =	ssyncset.done @!p1 $0x0;
	p2 =	por p2, p1;
	p3 =	por !p3, p1  }
0xbc: {  	[sflag:s0] =	ssyncadd.s32 @!p1 $0xFFFFFFFF;
	v3 =	vimm.s32 @!p2 $0xFFFFFFFF;
	s22 =	simm.s32 @p3 $0xF  }
0xbd: {  	[tilespmem:$0x80] =	vst @!p2 v3;
	s2 =	sadd.s32 @!p1 $0x90, s22  }
0xbe: {  	[spmem:s3] =	stream.linear.scatter @!p1 [tilespmem:s2], [sflag:$0x1], $0x1, $0x38;
	[tilespmem:$0x11A60] =	vst v63  }
0xbf: {  	_ =	swait.ge @!p1 [sflag:s0], $0x1  }
0xc0: {  	[sflag:s0] =	ssyncset.done @!p1 $0x0  }
0xc1: {  	s2 =	simm.s32 @!p1 $0x80;
	[sflag:s0] =	ssyncadd.s32 @!p1 $0xFFFFFFFF  }
0xc2: {  	[spmem:s13] =	stream.linear.scatter @!p1 [tilespmem:s2], [sflag:$0x1], $0x1, $0x38;
	[tilespmem:$0x11A60] =	vst v63  }
0xc3: {  	_ =	swait.ge @!p1 [sflag:s0], $0x1  }
0xc4: {  	[sflag:s0] =	ssyncset.done @!p1 $0x0  }
0xc5: {  	[sflag:s0] =	ssyncadd.s32 @!p1 $0xFFFFFFFF;
	(ifvalue) =	ssetifvalue $0xFFFFFFFF;
	v3 =	vld [tilespmem:s25+$0x10];
	_ =	sdelay $0x3  }
.Ltmp6:
0xc6: {  	_ = 	snop;
	(pc) =	sbr.rel .LBB2_9-.Ltmp6, $3  }
0xc7: {  	_ =	sdelay $0x1  }
0xc8: {  	(ifvalue) =	ssetifvalue $0xFFFFFFFF  }
0xc9: {  	[hbm4b:s1+s16] =	stream.indirect_vreg.scatter [tilespmem:s26], [sflag:$0x9], $0x1, v3, vm0, $0x4038;
	[tilespmem:$0x11A60] =	vst v63  }
.LBB2_10:
0xca: {  	_ =	sfence.sel $0x180000  }
0xcb: {  	s0 =	simm.s32 $0x7;
	[bflag:$0x0] =	sbarrier.arrive $0xFFFF  }
0xcc: {  	s26 =	simm.s32 $0x8;
	[sflag:s0] =	ssyncpa.u1 $0x1  }
0xcd: {  	s28 =	simm.s32 $0x9;
	[sflag:s26] =	ssyncpa.u1 $0x1  }
0xce: {  	[sflag:s28] =	ssyncpa.u1 $0x1  }
0xcf: {  	_ =	sfence.stream.spmem  }
0xd0: {  	s29 =	simm.s32 $0x3;
	[bflag:$0x0] =	sbarrier.arrive $0xFFFF  }
0xd1: {  	s30 =	simm.s32 $0x4;
	[sflag:s29] =	ssyncpa.u1 $0x1  }
0xd2: {  	s31 =	simm.s32 $0x3C;
	s2 =	stileid.u32;
	[sflag:s30] =	ssyncpa.u1 $0x1  }
0xd3: {  	p0 =	sne.s32 s2, $0x0;
	[sflag:s31] =	ssyncpa.u1 $0x1  }
0xd4: {  	s0 =	simm.s32 @p0 $0x1;
	_ =	sfence @p0  }
0xd5: {  	[sflag:s0] =	ssyncpa.u1 @p0 $0x1;
	s0 =	simm.s32 @p0 $0x2  }
0xd6: {  	[sflag:s0] =	ssyncpa.u1 @p0 $0x1  }
0xd7: {  	_ =	strace @p0 $0x9000004A  }
0xd8: {  	[bflag:$0x2] =	sbarrier.arrive @p0 $0xFFFF  }
0xd9: {  	_ =	shalt @p0  }
.LBB2_11:
0xda: {  	_ =	sfence.stream.spmem;
	s0 =	simm.s32 $0x5  }
0xdb: {  	s2 =	simm.s32 $0x80;
	s3 =	simm.s32 $0xC0;
	[sflag:s0] =	ssyncpa.u1 $0x0  }
0xdc: {  	[tilespmem:s3], [sflag:$0x5] =	stream.linear.gather [spmem:s2], $0x20, $0x38;
	[tilespmem:$0x11A60] =	vst v63  }
0xdd: {  	s2 =	simm.s32 $0x0;
	s3 =	simm.s32 $0xE0  }
0xde: {  	[tilespmem:s3], [sflag:$0x5] =	stream.linear.gather [spmem:s2], $0x20, $0x38;
	[tilespmem:$0x11A60] =	vst v63  }
.Ltmp7:
0xdf: {  	_ = 	snop;
	(pc) =	sbr.rel .LBB2_12-.Ltmp7, $4  }
0xe0: {  	_ =	swait.ge [sflag:s0], $0x40  }
0xe1: {  	[sflag:s0] =	ssyncset.done $0x0  }
0xe2: {  	s31 =	simm.s32 $0x6;
	[sflag:s0] =	ssyncadd.s32 $0xFFFFFFC0  }
0xe3: {  	s4 =	simm.s32 $0x0;
	[sflag:s31] =	ssyncpa.u1 $0x0  }
.LBB2_17:
0xe4: {  	p0 =	sgt.u32 s5, $0x27FF  }
0xe5: {  	s0 =	sshrl.u32 @!p0 s5, $0x3  }
0xe6: {  	s5 =	sand.u32 @!p0 $0x7, s5;
	s6 =	simm.s32 @!p0 $0xB0;
	s0 =	sadd.s32 @!p0 s1, s0  }
0xe7: {  	[tilespmem:s6], [sflag:$0x6] =	stream.linear.gather @!p0 [hbm4b:s0+s5], $0x1, $0x38;
	[tilespmem:$0x11A60] =	vst v63  }
0xe8: {  	s0 =	simm.s32 @!p0 $0x6  }
0xe9: {  	_ =	swait.ge @!p0 [sflag:s0], $0x1  }
0xea: {  	[sflag:s0] =	ssyncset.done @!p0 $0x0  }
0xeb: {  	[sflag:s0] =	ssyncadd.s32 @!p0 $0xFFFFFFFF  }
0xec: {  	v2 =	vmov @!p0 s4;
	v1 =	vld.msk @!p0 [tilespmem:$0xB0], $0x1;
	_ =	sdelay $0x3  }
0xed: {  	s0 =	simm.s32 @!p0 $0xE0  }
0xee: {  	[tilespmem:v2+s0+$0x0], v1 =	vst.idx.ret.add.f32.msk @!p0 $0x1, v1  }
0xef: {  	[tilespmem:s2+$0xC0] =	vst.msk $0x1, v0  }
0xf0: {  	v0 =	vld.msk [tilespmem:s4+$0xE0], $0x1;
	_ =	sdelay $0x4  }
0xf1: {  	[tilespmem:s2+$0xE0] =	vst.msk $0x1, v0;
	s2 =	sadd.s32 $0x1, s2  }
.LBB2_19:
0xf2: {  	s4 =	sadd.s32 $0x1, s4  }
0xf3: {  	p0 =	sne.s32 s4, $0x20  }
.Ltmp8:
0xf4: {  	_ = 	snop;
	(pc) =	sbr.rel @!p0 .LBB2_20-.Ltmp8, $1  }
0xf5: {  	_ =	sdelay $0x3  }
.LBB2_12:
0xf6: {  	v0 =	vld.msk [tilespmem:s4+$0xC0], $0x1;
	_ =	sdelay $0x4  }
0xf7: {  	(v2sf) =	vpush v0, $0x0;
	_ =	sdelay $0xe  }
0xf8: {  	s5 =	spop (v2sf)  }
0xf9: {  	p0 =	seq.s32 s5, $0xFFFFFFFF  }
.Ltmp9:
0xfa: {  	_ = 	snop;
	(pc) =	sbr.rel @p0 .LBB2_19-.Ltmp9, $1  }
0xfb: {  	_ =	sdelay $0x3  }
0xfc: {  	p0 =	slt.s32 s2, $0x1  }
.Ltmp10:
0xfd: {  	_ = 	snop;
	(pc) =	sbr.rel @p0 .LBB2_17-.Ltmp10, $1  }
0xfe: {  	_ =	sdelay $0x3  }
0xff: {  	s0 =	simm.s32 $0xC0;
	p0 =	por $0x0, $0x0  }
0x100: {  	v1 =	vld.msk @!p0 [tilespmem:s0+$0x0], $0x1;
	_ =	sdelay $0x4  }
0x101: {  	(v2sf) =	vpush @!p0 v1, $0x0;
	_ =	sdelay $0xd  }
0x102: {  	p2 =	sne.s32 s2, $0x1  }
.Ltmp11:
0x103: {  	s6 =	spop @!p0 (v2sf);
	(pc) =	sbr.rel @!p2 .LBB2_16-.Ltmp11, $4  }
0x104: {  	p1 =	seq.s32 @!p0 s5, s6  }
0x105: {  	s6 =	simm.s32 $0x0;
	p1 =	por !p1, p0  }
0x106: {  	s8 =	simm.s32 $0xFFFFFFFF;
	s6 =	simm.s32 @p1 $0xFFFFFFFF  }
0x107: {  	s7 =	simm.s32 $0x1;
	s6 =	smov.u32 @p0 s8  }
.LBB2_15:
0x108: {  	s8 =	smov.u32 s6;
	p0 =	sne.s32 s6, $0xFFFFFFFF  }
0x109: {  	s0 =	sadd.s32 $0x1, s0;
	s6 =	smov.u32 s7;
	s7 =	sadd.s32 $0x1, s7  }
0x10a: {  	p1 =	sne.s32 s2, s7;
	v1 =	vld.msk @!p0 [tilespmem:s0+$0x0], $0x1;
	_ =	sdelay $0x4  }
0x10b: {  	(v2sf) =	vpush @!p0 v1, $0x0;
	_ =	sdelay $0xe  }
.Ltmp12:
0x10c: {  	s9 =	spop @!p0 (v2sf);
	(pc) =	sbr.rel @p1 .LBB2_15-.Ltmp12, $4  }
0x10d: {  	p2 =	seq.s32 @!p0 s5, s9  }
0x10e: {  	p2 =	por !p2, p0  }
0x10f: {  	s6 =	simm.s32 @p2 $0xFFFFFFFF  }
0x110: {  	s6 =	smov.u32 @p0 s8  }
.LBB2_16:
0x111: {  	p0 =	sne.s32 s6, $0xFFFFFFFF  }
.Ltmp13:
0x112: {  	_ = 	snop;
	(pc) =	sbr.rel @!p0 .LBB2_17-.Ltmp13, $1  }
0x113: {  	_ =	sdelay $0x3  }
0x114: {  	v0 =	vld.msk [tilespmem:s4+$0xE0], $0x1;
	v1 =	vmov s6  }
.Ltmp14:
0x115: {  	_ = 	snop;
	(pc) =	sbr.rel .LBB2_19-.Ltmp14, $2  }
0x116: {  	_ =	sdelay $0x2  }
0x117: {  	[tilespmem:v1+s3+$0x0], v0 =	vst.idx.ret.add.f32.msk $0x1, v0  }
.LBB2_20:
0x118: {  	p0 =	slt.s32 s2, $0x1  }
.Ltmp15:
0x119: {  	_ = 	snop;
	(pc) =	sbr.rel @p0 .LBB2_24-.Ltmp15, $3  }
0x11a: {  	_ =	sdelay $0x1  }
0x11b: {  	s0 =	simm.s32 $0x6  }
0x11c: {  	s3 =	simm.s32 $0x0;
	[sflag:s0] =	ssyncpa.u1 $0x1  }
0x11d: {  	s0 =	simm.s32 $0xC0  }
0x11e: {  	v0 =	vld.msk [tilespmem:s0+$0x0], $0x1;
	_ =	sdelay $0x4  }
0x11f: {  	(v2sf) =	vpush v0, $0x0;
	_ =	sdelay $0xe  }
0x120: {  	s2 =	sadd.s32 $0xFFFFFFFF, s2;
	s4 =	spop (v2sf)  }
0x121: {  	p1 =	sne.s32 s2, $0x0;
	p0 =	sgt.u32 s4, $0x27FF  }
.Ltmp16:
0x122: {  	s5 =	sshrl.u32 @!p0 s4, $0x3;
	(pc) =	sbr.rel @!p1 .LBB2_23-.Ltmp16, $4  }
0x123: {  	s0 =	simm.s32 $0xE0;
	s4 =	sand.u32 @!p0 $0x7, s4;
	s5 =	sadd.s32 @!p0 s1, s5  }
0x124: {  	[hbm4b:s5+s4] =	stream.linear.scatter @!p0 [tilespmem:s0], [sflag:$0x5], $0x1, $0x38;
	[tilespmem:$0x11A60] =	vst v63  }
0x125: {  	s5 =	simm.s32 $0x0  }
0x126: {  	s4 =	simm.s32 $0xC1;
	s5 =	simm.s32 @!p0 $0x4  }
.LBB2_22:
0x127: {  	v0 =	vld.msk [tilespmem:s4+$0x0], $0x1;
	s2 =	sadd.s32 $0xFFFFFFFF, s2;
	s3 =	sadd.s32 s3, s5  }
0x128: {  	p0 =	sne.s32 s2, $0x0;
	_ =	sdelay $0x3  }
0x129: {  	(v2sf) =	vpush v0, $0x0;
	_ =	sdelay $0xe  }
.Ltmp17:
0x12a: {  	s6 =	spop (v2sf);
	(pc) =	sbr.rel @p0 .LBB2_22-.Ltmp17, $4  }
0x12b: {  	s5 =	simm.s32 $0x0;
	p1 =	sgt.u32 s6, $0x27FF  }
0x12c: {  	s0 =	sadd.s32 $0x1, s0;
	s5 =	simm.s32 @!p1 $0x4;
	s7 =	sshrl.u32 @!p1 s6, $0x3  }
0x12d: {  	s4 =	sadd.s32 $0x1, s4;
	s6 =	sand.u32 @!p1 $0x7, s6;
	s7 =	sadd.s32 @!p1 s1, s7  }
0x12e: {  	[hbm4b:s7+s6] =	stream.linear.scatter @!p1 [tilespmem:s0], [sflag:$0x5], $0x1, $0x38;
	[tilespmem:$0x11A60] =	vst v63  }
.LBB2_23:
0x12f: {  	s0 =	sadd.s32 s3, s5  }
0x130: {  	s3 =	sshrl.u32 s0, $0x2  }
.LBB2_24:
0x131: {  	s0 =	simm.s32 $0x5  }
0x132: {  	_ =	swait.ge [sflag:s0], s3  }
0x133: {  	s1 =	ssub.s32 $0x0, s3;
	[sflag:s0] =	ssyncset.done $0x0  }
0x134: {  	[sflag:s0] =	ssyncadd.s32 s1  }
0x135: {  	[sflag:s0] =	ssyncpa.u1 $0x1  }
0x136: {  	s29 =	simm.s32 $0x1;
	_ =	sfence  }
0x137: {  	s30 =	simm.s32 $0x2;
	[sflag:s29] =	ssyncpa.u1 $0x1  }
0x138: {  	[sflag:s30] =	ssyncpa.u1 $0x1  }
0x139: {  	_ =	strace $0x9000004A  }
0x13a: {  	[bflag:$0x2] =	sbarrier.arrive $0xFFFF  }
0x13b: {  	s31 =	rddreg [dreg:$0x1]  }
0x13c: {  	s0 =	sadd.s32 $0x100000, s31  }
0x13d: {  	[sflag:s0] =	ssyncadd.tile.s32 $0x1;
	_ =	shalt  }
.Lfunc_end2:
_tile_overlayer_lowered:
.L_overlay_start_2:
0x13e: {  	(tag) =	ssettag $0x2  }
0x13f: {  	s0 =	rddreg [dreg:$0x0];
	s2 =	stileid.u32  }
0x140: {  	s1 =	rddreg [dreg:$0x1];
	p0 =	sne.s32 s2, $0x0  }
0x141: {  	s3 =	rddreg [dreg:$0x2];
	[bflag:$0x3] =	sbarrier.arrive $0xFFFF;
	s2 =	simm.s32 @!p0 $0x1C01  }
0x142: {  	[timem:s3], [sflag:s2] =	dma.local @!p0 [hbm:s0], s1  }
0x143: {  	s0 =	simm.s32 @!p0 $0x1  }
0x144: {  	_ =	swait.ge @!p0 [sflag:s0], s1  }
0x145: {  	s1 =	ssub.s32 @!p0 $0x0, s1;
	[sflag:s0] =	ssyncset.done @!p0 $0x0  }
0x146: {  	[sflag:s0] =	ssyncadd.s32 @!p0 s1  }
0x147: {  	[bflag:$0x3] =	sbarrier.arrive $0xFFFF  }
0x148: {  	_ =	shalt  }

</sc_bundles>
